<compile_context>
chip_gen: v7x
topology: tpu7x:2x2x1
jax: 0.10.2.dev20260603
libtpu: 0.0.44.dev20260713+nightly
codegen_flags: <defaults>
</compile_context>

<pallas_src>
import functools
import jax
import jax.numpy as jnp
from jax import lax
from jax.experimental import pallas as pl
from jax.experimental.pallas import tpu as pltpu
from jax.experimental.pallas import tpu_sc as plsc

V = 100000
D = 64
B = 200 * 4096
NC, NS = 2, 16
NW = NC * NS
BPW = B // NW
CH = 128
NCHUNK = BPW // CH
NB = 8
KA = 4

_SCALE = 8.0


def _scale_body(x_ref, o_ref):
    o_ref[...] = x_ref[...] * _SCALE


def _scale_table(emb):
    rows = 5000
    return pl.pallas_call(
        _scale_body,
        out_shape=jax.ShapeDtypeStruct((V, D), jnp.float32),
        grid=(V // rows,),
        in_specs=[pl.BlockSpec((rows, D), lambda i: (i, 0))],
        out_specs=pl.BlockSpec((rows, D), lambda i: (i, 0)),
    )(emb)


def _gather_body(table, idxs, out, idx_v, rows_v, gsem, osem):
    wid = lax.axis_index("s") * NC + lax.axis_index("c")
    base = wid * BPW
    pltpu.sync_copy(idxs.at[wid], idx_v)

    def _issue_gather(j, b):
        pltpu.async_copy(table.at[idx_v.at[j]], rows_v.at[b], gsem.at[b])

    def _wait_gather(j, b):
        pltpu.make_async_copy(table.at[idx_v.at[j]], rows_v.at[b],
                              gsem.at[b]).wait()

    def _issue_out(j, b):
        pltpu.async_copy(rows_v.at[b], out.at[pl.ds(base + j * CH, CH)],
                         osem.at[b])

    def _wait_out(j, b):
        pltpu.make_async_copy(rows_v.at[b], out.at[pl.ds(base + j * CH, CH)],
                              osem.at[b]).wait()

    for j in range(KA):
        _issue_gather(j, j % NB)

    def outer(g, carry):
        for b in range(NB):
            j = g * NB + b
            _wait_gather(j, b)
            _issue_out(j, b)
            jn = j + KA
            bn = (b + KA) % NB

            @pl.when(jn < NCHUNK)
            def _():
                @pl.when(jn >= NB)
                def _():
                    _wait_out(jn - NB, bn)
                _issue_gather(jn, bn)
        return carry

    lax.fori_loop(0, NCHUNK // NB, outer, 0)

    for i in range(KA):
        j = NCHUNK - KA + i
        _wait_out(j, j % NB)


def _gather(table, idx3):
    mesh = plsc.VectorSubcoreMesh(core_axis_name="c", subcore_axis_name="s")
    f = pl.kernel(
        _gather_body,
        mesh=mesh,
        compiler_params=pltpu.CompilerParams(use_tc_tiling_on_sc=False),
        out_type=jax.ShapeDtypeStruct((B, D), jnp.float32),
        scratch_types=[
            pltpu.VMEM((NCHUNK, CH), jnp.int32),
            pltpu.VMEM((NB, CH, D), jnp.float32),
            pltpu.SemaphoreType.DMA((NB,)),
            pltpu.SemaphoreType.DMA((NB,)),
        ],
    )
    return f(table, idx3)


def kernel(tokens, embedding):
    t = tokens.reshape(NW, NCHUNK, CH).astype(jnp.int32)
    scaled = _scale_table(embedding)
    flat = _gather(scaled, t)
    return flat.reshape(tokens.shape[0], tokens.shape[1], D)

# --- scband reference (transcript-rebuilt; emitter-appended) ---
"""Pipeline reference for scband-token-embedding-12103217840834 (READ-ONLY COPY).

The authoritative reference and input builder live on the scoring server;
editing this copy changes nothing except your own understanding.
"""

import jax, jax.numpy as jnp
import numpy as np
import math

VOCAB = 100000
EMB = 64

def setup_inputs(seed: int = 0) -> dict:
    key = jax.random.key(seed)
    k1, k2 = jax.random.split(key)
    tokens = jax.random.randint(k1, (200, 4096), 0, VOCAB, dtype=jnp.int64) if jax.config.jax_enable_x64 else jax.random.randint(k1, (200, 4096), 0, VOCAB, dtype=jnp.int32)
    embedding = jax.random.normal(k2, (VOCAB, EMB), dtype=jnp.float32)
    return {"tokens": tokens, "embedding": embedding}

def reference(tokens, embedding):
    # TokenEmbedding.forward: embedding(tokens) * sqrt(emb_size)
    out = jnp.take(embedding, tokens, axis=0) * math.sqrt(EMB)
    return out

if __name__ == "__main__":
    import jax
    _d = setup_inputs()
    print(jax.jit(kernel)(*tuple(_d.values())))

</pallas_src>

<mosaic_0001>
#map = affine_map<(d0, d1) -> (0, 0)>
#map1 = affine_map<(d0, d1) -> (0, 0, 0)>
module attributes {stable_mosaic.version = 14 : i64} {
  func.func @_gather_body(%arg0: i32, %arg1: i32, %arg2: memref<100000x64xf32, #tpu.memory_space<hbm>>, %arg3: memref<32x200x128xi32, #tpu.memory_space<hbm>>, %arg4: memref<819200x64xf32, #tpu.memory_space<hbm>>, %arg5: memref<200x128xi32, #tpu.memory_space<vmem>>, %arg6: memref<8x128x64xf32, #tpu.memory_space<vmem>>, %arg7: memref<8x!tpu.dma_semaphore, #tpu.memory_space<semaphore_mem>>, %arg8: memref<8x!tpu.dma_semaphore, #tpu.memory_space<semaphore_mem>>) attributes {dimension_semantics = [#tpu.dimension_semantics<core_parallel>, #tpu.dimension_semantics<subcore_parallel>], iteration_bounds = array<i64: 2, 16>, scalar_prefetch = 0 : i64, scratch_operands = 4 : i64, tpu.core_type = #tpu.core_type<sc_vector_subcore>, window_params = [{transform_indices = #map}, {transform_indices = #map1}, {transform_indices = #map}]} {
    %mul3A = arith.constant 2 : i32
    %mul3A_0 = arith.muli %arg1, %mul3A : i32
    %add3A = arith.addi %mul3A_0, %arg0 : i32
    %mul3A_1 = arith.constant 25600 : i32
    %mul3A_2 = arith.muli %add3A, %mul3A_1 : i32
    "tpu.region"() ({
      %run_scoped3A = tpu.sem_alloc : memref<!tpu.dma_semaphore, #tpu.memory_space<semaphore_mem>>
      %dma_start3A_138 = arith.constant 0 : i32
      %dma_start3A_139 = arith.constant 0 : i32
      %dma_start3A_140 = tpu.memref_slice %arg3[%add3A, %dma_start3A_138, %dma_start3A_139] : memref<32x200x128xi32, #tpu.memory_space<hbm>> -> memref<1x200x128xi32, #tpu.memory_space<hbm>>
      %dma_start3A_141 = tpu.memref_squeeze %dma_start3A_140 : memref<1x200x128xi32, #tpu.memory_space<hbm>> -> memref<200x128xi32, #tpu.memory_space<hbm>>
      %dma_start3A_142 = arith.constant 0 : i32
      %dma_start3A_143 = arith.constant 0 : i32
      %dma_start3A_144 = tpu.memref_slice %arg3[%add3A, %dma_start3A_142, %dma_start3A_143] : memref<32x200x128xi32, #tpu.memory_space<hbm>> -> memref<1x200x128xi32, #tpu.memory_space<hbm>>
      %dma_start3A_145 = tpu.memref_squeeze %dma_start3A_144 : memref<1x200x128xi32, #tpu.memory_space<hbm>> -> memref<200x128xi32, #tpu.memory_space<hbm>>
      tpu.enqueue_dma source(%dma_start3A_145 : memref<200x128xi32, #tpu.memory_space<hbm>>) target(%arg5 : memref<200x128xi32, #tpu.memory_space<vmem>>) target_semaphore(%run_scoped3A : memref<!tpu.dma_semaphore, #tpu.memory_space<semaphore_mem>>)
      %dma_wait3A_146 = arith.constant 0 : i32
      %dma_wait3A_147 = arith.constant 0 : i32
      %dma_wait3A_148 = tpu.memref_slice %arg3[%add3A, %dma_wait3A_146, %dma_wait3A_147] : memref<32x200x128xi32, #tpu.memory_space<hbm>> -> memref<1x200x128xi32, #tpu.memory_space<hbm>>
      %dma_wait3A_149 = tpu.memref_squeeze %dma_wait3A_148 : memref<1x200x128xi32, #tpu.memory_space<hbm>> -> memref<200x128xi32, #tpu.memory_space<hbm>>
      %dma_wait3A_150 = arith.constant 0 : i32
      %dma_wait3A_151 = arith.constant 0 : i32
      %dma_wait3A_152 = tpu.memref_slice %arg3[%add3A, %dma_wait3A_150, %dma_wait3A_151] : memref<32x200x128xi32, #tpu.memory_space<hbm>> -> memref<1x200x128xi32, #tpu.memory_space<hbm>>
      %dma_wait3A_153 = tpu.memref_squeeze %dma_wait3A_152 : memref<1x200x128xi32, #tpu.memory_space<hbm>> -> memref<200x128xi32, #tpu.memory_space<hbm>>
      tpu.wait_dma2 semaphore(%run_scoped3A : memref<!tpu.dma_semaphore, #tpu.memory_space<semaphore_mem>>) src(%dma_wait3A_153 : memref<200x128xi32, #tpu.memory_space<hbm>>) dst(%arg5 : memref<200x128xi32, #tpu.memory_space<vmem>>)
      tpu.yield
    }) : () -> ()
    %dma_start3A = arith.constant 0 : i32
    %dma_start3A_3 = arith.constant 0 : i32
    %dma_start3A_4 = arith.constant 0 : i32
    %dma_start3A_5 = arith.constant 0 : i32
    %dma_start3A_6 = arith.constant 0 : i32
    %dma_start3A_7 = tpu.memref_slice %arg6[%dma_start3A_3, %dma_start3A_5, %dma_start3A_6] : memref<8x128x64xf32, #tpu.memory_space<vmem>> -> memref<1x128x64xf32, #tpu.memory_space<vmem>>
    %dma_start3A_8 = tpu.memref_squeeze %dma_start3A_7 : memref<1x128x64xf32, #tpu.memory_space<vmem>> -> memref<128x64xf32, #tpu.memory_space<vmem>>
    %dma_start3A_9 = arith.constant 0 : i32
    %dma_start3A_10 = tpu.memref_slice %arg5[%dma_start3A, %dma_start3A_9] : memref<200x128xi32, #tpu.memory_space<vmem>> -> memref<1x128xi32, #tpu.memory_space<vmem>>
    %dma_start3A_11 = tpu.memref_squeeze %dma_start3A_10 : memref<1x128xi32, #tpu.memory_space<vmem>> -> memref<128xi32, #tpu.memory_space<vmem>>
    %dma_start3A_12 = arith.constant 0 : i32
    %dma_start3A_13 = arith.constant 0 : i32
    %dma_start3A_14 = tpu.memref_slice %arg2[%dma_start3A_12, %dma_start3A_13] : memref<100000x64xf32, #tpu.memory_space<hbm>> -> memref<100000x64xf32, #tpu.memory_space<hbm>>
    %dma_start3A_15 = tpu.memref_slice %arg7[%dma_start3A_4] : memref<8x!tpu.dma_semaphore, #tpu.memory_space<semaphore_mem>> -> memref<1x!tpu.dma_semaphore, #tpu.memory_space<semaphore_mem>>
    %dma_start3A_16 = tpu.memref_squeeze %dma_start3A_15 : memref<1x!tpu.dma_semaphore, #tpu.memory_space<semaphore_mem>> -> memref<!tpu.dma_semaphore, #tpu.memory_space<semaphore_mem>>
    tpu.enqueue_indirect_dma source(%dma_start3A_14 : memref<100000x64xf32, #tpu.memory_space<hbm>>) target(%dma_start3A_8 : memref<128x64xf32, #tpu.memory_space<vmem>>) offsets(%dma_start3A_11 : memref<128xi32, #tpu.memory_space<vmem>>) semaphore(%dma_start3A_16 : memref<!tpu.dma_semaphore, #tpu.memory_space<semaphore_mem>>)
    %dma_start3A_17 = arith.constant 1 : i32
    %dma_start3A_18 = arith.constant 1 : i32
    %dma_start3A_19 = arith.constant 1 : i32
    %dma_start3A_20 = arith.constant 0 : i32
    %dma_start3A_21 = arith.constant 0 : i32
    %dma_start3A_22 = tpu.memref_slice %arg6[%dma_start3A_18, %dma_start3A_20, %dma_start3A_21] : memref<8x128x64xf32, #tpu.memory_space<vmem>> -> memref<1x128x64xf32, #tpu.memory_space<vmem>>
    %dma_start3A_23 = tpu.memref_squeeze %dma_start3A_22 : memref<1x128x64xf32, #tpu.memory_space<vmem>> -> memref<128x64xf32, #tpu.memory_space<vmem>>
    %dma_start3A_24 = arith.constant 0 : i32
    %dma_start3A_25 = tpu.memref_slice %arg5[%dma_start3A_17, %dma_start3A_24] : memref<200x128xi32, #tpu.memory_space<vmem>> -> memref<1x128xi32, #tpu.memory_space<vmem>>
    %dma_start3A_26 = tpu.memref_squeeze %dma_start3A_25 : memref<1x128xi32, #tpu.memory_space<vmem>> -> memref<128xi32, #tpu.memory_space<vmem>>
    %dma_start3A_27 = arith.constant 0 : i32
    %dma_start3A_28 = arith.constant 0 : i32
    %dma_start3A_29 = tpu.memref_slice %arg2[%dma_start3A_27, %dma_start3A_28] : memref<100000x64xf32, #tpu.memory_space<hbm>> -> memref<100000x64xf32, #tpu.memory_space<hbm>>
    %dma_start3A_30 = tpu.memref_slice %arg7[%dma_start3A_19] : memref<8x!tpu.dma_semaphore, #tpu.memory_space<semaphore_mem>> -> memref<1x!tpu.dma_semaphore, #tpu.memory_space<semaphore_mem>>
    %dma_start3A_31 = tpu.memref_squeeze %dma_start3A_30 : memref<1x!tpu.dma_semaphore, #tpu.memory_space<semaphore_mem>> -> memref<!tpu.dma_semaphore, #tpu.memory_space<semaphore_mem>>
    tpu.enqueue_indirect_dma source(%dma_start3A_29 : memref<100000x64xf32, #tpu.memory_space<hbm>>) target(%dma_start3A_23 : memref<128x64xf32, #tpu.memory_space<vmem>>) offsets(%dma_start3A_26 : memref<128xi32, #tpu.memory_space<vmem>>) semaphore(%dma_start3A_31 : memref<!tpu.dma_semaphore, #tpu.memory_space<semaphore_mem>>)
    %dma_start3A_32 = arith.constant 2 : i32
    %dma_start3A_33 = arith.constant 2 : i32
    %dma_start3A_34 = arith.constant 2 : i32
    %dma_start3A_35 = arith.constant 0 : i32
    %dma_start3A_36 = arith.constant 0 : i32
    %dma_start3A_37 = tpu.memref_slice %arg6[%dma_start3A_33, %dma_start3A_35, %dma_start3A_36] : memref<8x128x64xf32, #tpu.memory_space<vmem>> -> memref<1x128x64xf32, #tpu.memory_space<vmem>>
    %dma_start3A_38 = tpu.memref_squeeze %dma_start3A_37 : memref<1x128x64xf32, #tpu.memory_space<vmem>> -> memref<128x64xf32, #tpu.memory_space<vmem>>
    %dma_start3A_39 = arith.constant 0 : i32
    %dma_start3A_40 = tpu.memref_slice %arg5[%dma_start3A_32, %dma_start3A_39] : memref<200x128xi32, #tpu.memory_space<vmem>> -> memref<1x128xi32, #tpu.memory_space<vmem>>
    %dma_start3A_41 = tpu.memref_squeeze %dma_start3A_40 : memref<1x128xi32, #tpu.memory_space<vmem>> -> memref<128xi32, #tpu.memory_space<vmem>>
    %dma_start3A_42 = arith.constant 0 : i32
    %dma_start3A_43 = arith.constant 0 : i32
    %dma_start3A_44 = tpu.memref_slice %arg2[%dma_start3A_42, %dma_start3A_43] : memref<100000x64xf32, #tpu.memory_space<hbm>> -> memref<100000x64xf32, #tpu.memory_space<hbm>>
    %dma_start3A_45 = tpu.memref_slice %arg7[%dma_start3A_34] : memref<8x!tpu.dma_semaphore, #tpu.memory_space<semaphore_mem>> -> memref<1x!tpu.dma_semaphore, #tpu.memory_space<semaphore_mem>>
    %dma_start3A_46 = tpu.memref_squeeze %dma_start3A_45 : memref<1x!tpu.dma_semaphore, #tpu.memory_space<semaphore_mem>> -> memref<!tpu.dma_semaphore, #tpu.memory_space<semaphore_mem>>
    tpu.enqueue_indirect_dma source(%dma_start3A_44 : memref<100000x64xf32, #tpu.memory_space<hbm>>) target(%dma_start3A_38 : memref<128x64xf32, #tpu.memory_space<vmem>>) offsets(%dma_start3A_41 : memref<128xi32, #tpu.memory_space<vmem>>) semaphore(%dma_start3A_46 : memref<!tpu.dma_semaphore, #tpu.memory_space<semaphore_mem>>)
    %dma_start3A_47 = arith.constant 3 : i32
    %dma_start3A_48 = arith.constant 3 : i32
    %dma_start3A_49 = arith.constant 3 : i32
    %dma_start3A_50 = arith.constant 0 : i32
    %dma_start3A_51 = arith.constant 0 : i32
    %dma_start3A_52 = tpu.memref_slice %arg6[%dma_start3A_48, %dma_start3A_50, %dma_start3A_51] : memref<8x128x64xf32, #tpu.memory_space<vmem>> -> memref<1x128x64xf32, #tpu.memory_space<vmem>>
    %dma_start3A_53 = tpu.memref_squeeze %dma_start3A_52 : memref<1x128x64xf32, #tpu.memory_space<vmem>> -> memref<128x64xf32, #tpu.memory_space<vmem>>
    %dma_start3A_54 = arith.constant 0 : i32
    %dma_start3A_55 = tpu.memref_slice %arg5[%dma_start3A_47, %dma_start3A_54] : memref<200x128xi32, #tpu.memory_space<vmem>> -> memref<1x128xi32, #tpu.memory_space<vmem>>
    %dma_start3A_56 = tpu.memref_squeeze %dma_start3A_55 : memref<1x128xi32, #tpu.memory_space<vmem>> -> memref<128xi32, #tpu.memory_space<vmem>>
    %dma_start3A_57 = arith.constant 0 : i32
    %dma_start3A_58 = arith.constant 0 : i32
    %dma_start3A_59 = tpu.memref_slice %arg2[%dma_start3A_57, %dma_start3A_58] : memref<100000x64xf32, #tpu.memory_space<hbm>> -> memref<100000x64xf32, #tpu.memory_space<hbm>>
    %dma_start3A_60 = tpu.memref_slice %arg7[%dma_start3A_49] : memref<8x!tpu.dma_semaphore, #tpu.memory_space<semaphore_mem>> -> memref<1x!tpu.dma_semaphore, #tpu.memory_space<semaphore_mem>>
    %dma_start3A_61 = tpu.memref_squeeze %dma_start3A_60 : memref<1x!tpu.dma_semaphore, #tpu.memory_space<semaphore_mem>> -> memref<!tpu.dma_semaphore, #tpu.memory_space<semaphore_mem>>
    tpu.enqueue_indirect_dma source(%dma_start3A_59 : memref<100000x64xf32, #tpu.memory_space<hbm>>) target(%dma_start3A_53 : memref<128x64xf32, #tpu.memory_space<vmem>>) offsets(%dma_start3A_56 : memref<128xi32, #tpu.memory_space<vmem>>) semaphore(%dma_start3A_61 : memref<!tpu.dma_semaphore, #tpu.memory_space<semaphore_mem>>)
    %scan3A = arith.constant 0 : i32
    %scan3A_62 = arith.constant 0 : i32
    %scan3A_63 = arith.constant 25 : i32
    %scan3A_64 = arith.addi %scan3A_62, %scan3A_63 : i32
    %scan3A_65 = arith.constant 1 : i32
    scf.for %scan3A_138 = %scan3A_62 to %scan3A_64 step %scan3A_65  : i32 {
      %mul3A_139 = arith.constant 8 : i32
      %mul3A_140 = arith.muli %scan3A_138, %mul3A_139 : i32
      %add3A_141 = arith.constant 0 : i32
      %add3A_142 = arith.addi %mul3A_140, %add3A_141 : i32
      %dma_wait3A_143 = arith.constant 0 : i32
      %dma_wait3A_144 = arith.constant 0 : i32
      %dma_wait3A_145 = arith.constant 0 : i32
      %dma_wait3A_146 = arith.constant 0 : i32
      %dma_wait3A_147 = tpu.memref_slice %arg6[%dma_wait3A_143, %dma_wait3A_145, %dma_wait3A_146] : memref<8x128x64xf32, #tpu.memory_space<vmem>> -> memref<1x128x64xf32, #tpu.memory_space<vmem>>
      %dma_wait3A_148 = tpu.memref_squeeze %dma_wait3A_147 : memref<1x128x64xf32, #tpu.memory_space<vmem>> -> memref<128x64xf32, #tpu.memory_space<vmem>>
      %dma_wait3A_149 = arith.constant 0 : i32
      %dma_wait3A_150 = tpu.memref_slice %arg5[%add3A_142, %dma_wait3A_149] : memref<200x128xi32, #tpu.memory_space<vmem>> -> memref<1x128xi32, #tpu.memory_space<vmem>>
      %dma_wait3A_151 = tpu.memref_squeeze %dma_wait3A_150 : memref<1x128xi32, #tpu.memory_space<vmem>> -> memref<128xi32, #tpu.memory_space<vmem>>
      %dma_wait3A_152 = arith.constant 0 : i32
      %dma_wait3A_153 = arith.constant 0 : i32
      %dma_wait3A_154 = tpu.memref_slice %arg2[%dma_wait3A_152, %dma_wait3A_153] : memref<100000x64xf32, #tpu.memory_space<hbm>> -> memref<100000x64xf32, #tpu.memory_space<hbm>>
      %dma_wait3A_155 = tpu.memref_slice %arg7[%dma_wait3A_144] : memref<8x!tpu.dma_semaphore, #tpu.memory_space<semaphore_mem>> -> memref<1x!tpu.dma_semaphore, #tpu.memory_space<semaphore_mem>>
      %dma_wait3A_156 = tpu.memref_squeeze %dma_wait3A_155 : memref<1x!tpu.dma_semaphore, #tpu.memory_space<semaphore_mem>> -> memref<!tpu.dma_semaphore, #tpu.memory_space<semaphore_mem>>
      tpu.wait_indirect_dma semaphore(%dma_wait3A_156 : memref<!tpu.dma_semaphore, #tpu.memory_space<semaphore_mem>>) src(%dma_wait3A_154 : memref<100000x64xf32, #tpu.memory_space<hbm>>) dst(%dma_wait3A_148 : memref<128x64xf32, #tpu.memory_space<vmem>>)
      %mul3A_157 = arith.constant 128 : i32
      %mul3A_158 = arith.muli %add3A_142, %mul3A_157 : i32
      %add3A_159 = arith.addi %mul3A_2, %mul3A_158 : i32
      %dma_start3A_160 = arith.constant 0 : i32
      %dma_start3A_161 = arith.constant 0 : i32
      %dma_start3A_162 = arith.constant 0 : i32
      %dma_start3A_163 = arith.constant 0 : i32
      %dma_start3A_164 = tpu.memref_slice %arg6[%dma_start3A_160, %dma_start3A_162, %dma_start3A_163] : memref<8x128x64xf32, #tpu.memory_space<vmem>> -> memref<1x128x64xf32, #tpu.memory_space<vmem>>
      %dma_start3A_165 = tpu.memref_squeeze %dma_start3A_164 : memref<1x128x64xf32, #tpu.memory_space<vmem>> -> memref<128x64xf32, #tpu.memory_space<vmem>>
      %dma_start3A_166 = arith.constant 0 : i32
      %dma_start3A_167 = tpu.memref_slice %arg4[%add3A_159, %dma_start3A_166] : memref<819200x64xf32, #tpu.memory_space<hbm>> -> memref<128x64xf32, #tpu.memory_space<hbm>>
      %dma_start3A_168 = tpu.memref_slice %arg8[%dma_start3A_161] : memref<8x!tpu.dma_semaphore, #tpu.memory_space<semaphore_mem>> -> memref<1x!tpu.dma_semaphore, #tpu.memory_space<semaphore_mem>>
      %dma_start3A_169 = tpu.memref_squeeze %dma_start3A_168 : memref<1x!tpu.dma_semaphore, #tpu.memory_space<semaphore_mem>> -> memref<!tpu.dma_semaphore, #tpu.memory_space<semaphore_mem>>
      %dma_start3A_170 = arith.constant 0 : i32
      %dma_start3A_171 = tpu.memref_slice %arg4[%add3A_159, %dma_start3A_170] : memref<819200x64xf32, #tpu.memory_space<hbm>> -> memref<128x64xf32, #tpu.memory_space<hbm>>
      %dma_start3A_172 = arith.constant 0 : i32
      %dma_start3A_173 = arith.constant 0 : i32
      %dma_start3A_174 = tpu.memref_slice %arg6[%dma_start3A_160, %dma_start3A_172, %dma_start3A_173] : memref<8x128x64xf32, #tpu.memory_space<vmem>> -> memref<1x128x64xf32, #tpu.memory_space<vmem>>
      %dma_start3A_175 = tpu.memref_squeeze %dma_start3A_174 : memref<1x128x64xf32, #tpu.memory_space<vmem>> -> memref<128x64xf32, #tpu.memory_space<vmem>>
      tpu.enqueue_dma source(%dma_start3A_175 : memref<128x64xf32, #tpu.memory_space<vmem>>) target(%dma_start3A_171 : memref<128x64xf32, #tpu.memory_space<hbm>>) target_semaphore(%dma_start3A_169 : memref<!tpu.dma_semaphore, #tpu.memory_space<semaphore_mem>>)
      %add3A_176 = arith.constant 4 : i32
      %add3A_177 = arith.addi %add3A_142, %add3A_176 : i32
      %lt3A = arith.constant 200 : i32
      %lt3A_178 = arith.cmpi slt, %add3A_177, %lt3A : i32
      %convert_element_type3A = arith.extui %lt3A_178 : i1 to i32
      %cond3A = arith.constant 0 : i32
      %cond3A_179 = arith.cmpi ne, %convert_element_type3A, %cond3A : i32
      scf.if %cond3A_179 {
        %ge3A = arith.constant 8 : i32
        %ge3A_488 = arith.cmpi sge, %add3A_177, %ge3A : i32
        %convert_element_type3A_489 = arith.extui %ge3A_488 : i1 to i32
        %cond3A_490 = arith.constant 0 : i32
        %cond3A_491 = arith.cmpi ne, %convert_element_type3A_489, %cond3A_490 : i32
        scf.if %cond3A_491 {
          %sub3A = arith.constant 8 : i32
          %sub3A_506 = arith.subi %add3A_177, %sub3A : i32
          %mul3A_507 = arith.constant 128 : i32
          %mul3A_508 = arith.muli %sub3A_506, %mul3A_507 : i32
          %add3A_509 = arith.addi %mul3A_2, %mul3A_508 : i32
          %dma_wait3A_510 = arith.constant 4 : i32
          %dma_wait3A_511 = arith.constant 4 : i32
          %dma_wait3A_512 = arith.constant 0 : i32
          %dma_wait3A_513 = arith.constant 0 : i32
          %dma_wait3A_514 = tpu.memref_slice %arg6[%dma_wait3A_510, %dma_wait3A_512, %dma_wait3A_513] : memref<8x128x64xf32, #tpu.memory_space<vmem>> -> memref<1x128x64xf32, #tpu.memory_space<vmem>>
          %dma_wait3A_515 = tpu.memref_squeeze %dma_wait3A_514 : memref<1x128x64xf32, #tpu.memory_space<vmem>> -> memref<128x64xf32, #tpu.memory_space<vmem>>
          %dma_wait3A_516 = arith.constant 0 : i32
          %dma_wait3A_517 = tpu.memref_slice %arg4[%add3A_509, %dma_wait3A_516] : memref<819200x64xf32, #tpu.memory_space<hbm>> -> memref<128x64xf32, #tpu.memory_space<hbm>>
          %dma_wait3A_518 = tpu.memref_slice %arg8[%dma_wait3A_511] : memref<8x!tpu.dma_semaphore, #tpu.memory_space<semaphore_mem>> -> memref<1x!tpu.dma_semaphore, #tpu.memory_space<semaphore_mem>>
          %dma_wait3A_519 = tpu.memref_squeeze %dma_wait3A_518 : memref<1x!tpu.dma_semaphore, #tpu.memory_space<semaphore_mem>> -> memref<!tpu.dma_semaphore, #tpu.memory_space<semaphore_mem>>
          %dma_wait3A_520 = arith.constant 0 : i32
          %dma_wait3A_521 = tpu.memref_slice %arg4[%add3A_509, %dma_wait3A_520] : memref<819200x64xf32, #tpu.memory_space<hbm>> -> memref<128x64xf32, #tpu.memory_space<hbm>>
          %dma_wait3A_522 = arith.constant 0 : i32
          %dma_wait3A_523 = arith.constant 0 : i32
          %dma_wait3A_524 = tpu.memref_slice %arg6[%dma_wait3A_510, %dma_wait3A_522, %dma_wait3A_523] : memref<8x128x64xf32, #tpu.memory_space<vmem>> -> memref<1x128x64xf32, #tpu.memory_space<vmem>>
          %dma_wait3A_525 = tpu.memref_squeeze %dma_wait3A_524 : memref<1x128x64xf32, #tpu.memory_space<vmem>> -> memref<128x64xf32, #tpu.memory_space<vmem>>
          tpu.wait_dma2 semaphore(%dma_wait3A_519 : memref<!tpu.dma_semaphore, #tpu.memory_space<semaphore_mem>>) src(%dma_wait3A_525 : memref<128x64xf32, #tpu.memory_space<vmem>>) dst(%dma_wait3A_521 : memref<128x64xf32, #tpu.memory_space<hbm>>)
        } else {
        }
        %dma_start3A_492 = arith.constant 4 : i32
        %dma_start3A_493 = arith.constant 4 : i32
        %dma_start3A_494 = arith.constant 0 : i32
        %dma_start3A_495 = arith.constant 0 : i32
        %dma_start3A_496 = tpu.memref_slice %arg6[%dma_start3A_492, %dma_start3A_494, %dma_start3A_495] : memref<8x128x64xf32, #tpu.memory_space<vmem>> -> memref<1x128x64xf32, #tpu.memory_space<vmem>>
        %dma_start3A_497 = tpu.memref_squeeze %dma_start3A_496 : memref<1x128x64xf32, #tpu.memory_space<vmem>> -> memref<128x64xf32, #tpu.memory_space<vmem>>
        %dma_start3A_498 = arith.constant 0 : i32
        %dma_start3A_499 = tpu.memref_slice %arg5[%add3A_177, %dma_start3A_498] : memref<200x128xi32, #tpu.memory_space<vmem>> -> memref<1x128xi32, #tpu.memory_space<vmem>>
        %dma_start3A_500 = tpu.memref_squeeze %dma_start3A_499 : memref<1x128xi32, #tpu.memory_space<vmem>> -> memref<128xi32, #tpu.memory_space<vmem>>
        %dma_start3A_501 = arith.constant 0 : i32
        %dma_start3A_502 = arith.constant 0 : i32
        %dma_start3A_503 = tpu.memref_slice %arg2[%dma_start3A_501, %dma_start3A_502] : memref<100000x64xf32, #tpu.memory_space<hbm>> -> memref<100000x64xf32, #tpu.memory_space<hbm>>
        %dma_start3A_504 = tpu.memref_slice %arg7[%dma_start3A_493] : memref<8x!tpu.dma_semaphore, #tpu.memory_space<semaphore_mem>> -> memref<1x!tpu.dma_semaphore, #tpu.memory_space<semaphore_mem>>
        %dma_start3A_505 = tpu.memref_squeeze %dma_start3A_504 : memref<1x!tpu.dma_semaphore, #tpu.memory_space<semaphore_mem>> -> memref<!tpu.dma_semaphore, #tpu.memory_space<semaphore_mem>>
        tpu.enqueue_indirect_dma source(%dma_start3A_503 : memref<100000x64xf32, #tpu.memory_space<hbm>>) target(%dma_start3A_497 : memref<128x64xf32, #tpu.memory_space<vmem>>) offsets(%dma_start3A_500 : memref<128xi32, #tpu.memory_space<vmem>>) semaphore(%dma_start3A_505 : memref<!tpu.dma_semaphore, #tpu.memory_space<semaphore_mem>>)
      } else {
      }
      %mul3A_180 = arith.constant 8 : i32
      %mul3A_181 = arith.muli %scan3A_138, %mul3A_180 : i32
      %add3A_182 = arith.constant 1 : i32
      %add3A_183 = arith.addi %mul3A_181, %add3A_182 : i32
      %dma_wait3A_184 = arith.constant 1 : i32
      %dma_wait3A_185 = arith.constant 1 : i32
      %dma_wait3A_186 = arith.constant 0 : i32
      %dma_wait3A_187 = arith.constant 0 : i32
      %dma_wait3A_188 = tpu.memref_slice %arg6[%dma_wait3A_184, %dma_wait3A_186, %dma_wait3A_187] : memref<8x128x64xf32, #tpu.memory_space<vmem>> -> memref<1x128x64xf32, #tpu.memory_space<vmem>>
      %dma_wait3A_189 = tpu.memref_squeeze %dma_wait3A_188 : memref<1x128x64xf32, #tpu.memory_space<vmem>> -> memref<128x64xf32, #tpu.memory_space<vmem>>
      %dma_wait3A_190 = arith.constant 0 : i32
      %dma_wait3A_191 = tpu.memref_slice %arg5[%add3A_183, %dma_wait3A_190] : memref<200x128xi32, #tpu.memory_space<vmem>> -> memref<1x128xi32, #tpu.memory_space<vmem>>
      %dma_wait3A_192 = tpu.memref_squeeze %dma_wait3A_191 : memref<1x128xi32, #tpu.memory_space<vmem>> -> memref<128xi32, #tpu.memory_space<vmem>>
      %dma_wait3A_193 = arith.constant 0 : i32
      %dma_wait3A_194 = arith.constant 0 : i32
      %dma_wait3A_195 = tpu.memref_slice %arg2[%dma_wait3A_193, %dma_wait3A_194] : memref<100000x64xf32, #tpu.memory_space<hbm>> -> memref<100000x64xf32, #tpu.memory_space<hbm>>
      %dma_wait3A_196 = tpu.memref_slice %arg7[%dma_wait3A_185] : memref<8x!tpu.dma_semaphore, #tpu.memory_space<semaphore_mem>> -> memref<1x!tpu.dma_semaphore, #tpu.memory_space<semaphore_mem>>
      %dma_wait3A_197 = tpu.memref_squeeze %dma_wait3A_196 : memref<1x!tpu.dma_semaphore, #tpu.memory_space<semaphore_mem>> -> memref<!tpu.dma_semaphore, #tpu.memory_space<semaphore_mem>>
      tpu.wait_indirect_dma semaphore(%dma_wait3A_197 : memref<!tpu.dma_semaphore, #tpu.memory_space<semaphore_mem>>) src(%dma_wait3A_195 : memref<100000x64xf32, #tpu.memory_space<hbm>>) dst(%dma_wait3A_189 : memref<128x64xf32, #tpu.memory_space<vmem>>)
      %mul3A_198 = arith.constant 128 : i32
      %mul3A_199 = arith.muli %add3A_183, %mul3A_198 : i32
      %add3A_200 = arith.addi %mul3A_2, %mul3A_199 : i32
      %dma_start3A_201 = arith.constant 1 : i32
      %dma_start3A_202 = arith.constant 1 : i32
      %dma_start3A_203 = arith.constant 0 : i32
      %dma_start3A_204 = arith.constant 0 : i32
      %dma_start3A_205 = tpu.memref_slice %arg6[%dma_start3A_201, %dma_start3A_203, %dma_start3A_204] : memref<8x128x64xf32, #tpu.memory_space<vmem>> -> memref<1x128x64xf32, #tpu.memory_space<vmem>>
      %dma_start3A_206 = tpu.memref_squeeze %dma_start3A_205 : memref<1x128x64xf32, #tpu.memory_space<vmem>> -> memref<128x64xf32, #tpu.memory_space<vmem>>
      %dma_start3A_207 = arith.constant 0 : i32
      %dma_start3A_208 = tpu.memref_slice %arg4[%add3A_200, %dma_start3A_207] : memref<819200x64xf32, #tpu.memory_space<hbm>> -> memref<128x64xf32, #tpu.memory_space<hbm>>
      %dma_start3A_209 = tpu.memref_slice %arg8[%dma_start3A_202] : memref<8x!tpu.dma_semaphore, #tpu.memory_space<semaphore_mem>> -> memref<1x!tpu.dma_semaphore, #tpu.memory_space<semaphore_mem>>
      %dma_start3A_210 = tpu.memref_squeeze %dma_start3A_209 : memref<1x!tpu.dma_semaphore, #tpu.memory_space<semaphore_mem>> -> memref<!tpu.dma_semaphore, #tpu.memory_space<semaphore_mem>>
      %dma_start3A_211 = arith.constant 0 : i32
      %dma_start3A_212 = tpu.memref_slice %arg4[%add3A_200, %dma_start3A_211] : memref<819200x64xf32, #tpu.memory_space<hbm>> -> memref<128x64xf32, #tpu.memory_space<hbm>>
      %dma_start3A_213 = arith.constant 0 : i32
      %dma_start3A_214 = arith.constant 0 : i32
      %dma_start3A_215 = tpu.memref_slice %arg6[%dma_start3A_201, %dma_start3A_213, %dma_start3A_214] : memref<8x128x64xf32, #tpu.memory_space<vmem>> -> memref<1x128x64xf32, #tpu.memory_space<vmem>>
      %dma_start3A_216 = tpu.memref_squeeze %dma_start3A_215 : memref<1x128x64xf32, #tpu.memory_space<vmem>> -> memref<128x64xf32, #tpu.memory_space<vmem>>
      tpu.enqueue_dma source(%dma_start3A_216 : memref<128x64xf32, #tpu.memory_space<vmem>>) target(%dma_start3A_212 : memref<128x64xf32, #tpu.memory_space<hbm>>) target_semaphore(%dma_start3A_210 : memref<!tpu.dma_semaphore, #tpu.memory_space<semaphore_mem>>)
      %add3A_217 = arith.constant 4 : i32
      %add3A_218 = arith.addi %add3A_183, %add3A_217 : i32
      %lt3A_219 = arith.constant 200 : i32
      %lt3A_220 = arith.cmpi slt, %add3A_218, %lt3A_219 : i32
      %convert_element_type3A_221 = arith.extui %lt3A_220 : i1 to i32
      %cond3A_222 = arith.constant 0 : i32
      %cond3A_223 = arith.cmpi ne, %convert_element_type3A_221, %cond3A_222 : i32
      scf.if %cond3A_223 {
        %ge3A = arith.constant 8 : i32
        %ge3A_488 = arith.cmpi sge, %add3A_218, %ge3A : i32
        %convert_element_type3A_489 = arith.extui %ge3A_488 : i1 to i32
        %cond3A_490 = arith.constant 0 : i32
        %cond3A_491 = arith.cmpi ne, %convert_element_type3A_489, %cond3A_490 : i32
        scf.if %cond3A_491 {
          %sub3A = arith.constant 8 : i32
          %sub3A_506 = arith.subi %add3A_218, %sub3A : i32
          %mul3A_507 = arith.constant 128 : i32
          %mul3A_508 = arith.muli %sub3A_506, %mul3A_507 : i32
          %add3A_509 = arith.addi %mul3A_2, %mul3A_508 : i32
          %dma_wait3A_510 = arith.constant 5 : i32
          %dma_wait3A_511 = arith.constant 5 : i32
          %dma_wait3A_512 = arith.constant 0 : i32
          %dma_wait3A_513 = arith.constant 0 : i32
          %dma_wait3A_514 = tpu.memref_slice %arg6[%dma_wait3A_510, %dma_wait3A_512, %dma_wait3A_513] : memref<8x128x64xf32, #tpu.memory_space<vmem>> -> memref<1x128x64xf32, #tpu.memory_space<vmem>>
          %dma_wait3A_515 = tpu.memref_squeeze %dma_wait3A_514 : memref<1x128x64xf32, #tpu.memory_space<vmem>> -> memref<128x64xf32, #tpu.memory_space<vmem>>
          %dma_wait3A_516 = arith.constant 0 : i32
          %dma_wait3A_517 = tpu.memref_slice %arg4[%add3A_509, %dma_wait3A_516] : memref<819200x64xf32, #tpu.memory_space<hbm>> -> memref<128x64xf32, #tpu.memory_space<hbm>>
          %dma_wait3A_518 = tpu.memref_slice %arg8[%dma_wait3A_511] : memref<8x!tpu.dma_semaphore, #tpu.memory_space<semaphore_mem>> -> memref<1x!tpu.dma_semaphore, #tpu.memory_space<semaphore_mem>>
          %dma_wait3A_519 = tpu.memref_squeeze %dma_wait3A_518 : memref<1x!tpu.dma_semaphore, #tpu.memory_space<semaphore_mem>> -> memref<!tpu.dma_semaphore, #tpu.memory_space<semaphore_mem>>
          %dma_wait3A_520 = arith.constant 0 : i32
          %dma_wait3A_521 = tpu.memref_slice %arg4[%add3A_509, %dma_wait3A_520] : memref<819200x64xf32, #tpu.memory_space<hbm>> -> memref<128x64xf32, #tpu.memory_space<hbm>>
          %dma_wait3A_522 = arith.constant 0 : i32
          %dma_wait3A_523 = arith.constant 0 : i32
          %dma_wait3A_524 = tpu.memref_slice %arg6[%dma_wait3A_510, %dma_wait3A_522, %dma_wait3A_523] : memref<8x128x64xf32, #tpu.memory_space<vmem>> -> memref<1x128x64xf32, #tpu.memory_space<vmem>>
          %dma_wait3A_525 = tpu.memref_squeeze %dma_wait3A_524 : memref<1x128x64xf32, #tpu.memory_space<vmem>> -> memref<128x64xf32, #tpu.memory_space<vmem>>
          tpu.wait_dma2 semaphore(%dma_wait3A_519 : memref<!tpu.dma_semaphore, #tpu.memory_space<semaphore_mem>>) src(%dma_wait3A_525 : memref<128x64xf32, #tpu.memory_space<vmem>>) dst(%dma_wait3A_521 : memref<128x64xf32, #tpu.memory_space<hbm>>)
        } else {
        }
        %dma_start3A_492 = arith.constant 5 : i32
        %dma_start3A_493 = arith.constant 5 : i32
        %dma_start3A_494 = arith.constant 0 : i32
        %dma_start3A_495 = arith.constant 0 : i32
        %dma_start3A_496 = tpu.memref_slice %arg6[%dma_start3A_492, %dma_start3A_494, %dma_start3A_495] : memref<8x128x64xf32, #tpu.memory_space<vmem>> -> memref<1x128x64xf32, #tpu.memory_space<vmem>>
        %dma_start3A_497 = tpu.memref_squeeze %dma_start3A_496 : memref<1x128x64xf32, #tpu.memory_space<vmem>> -> memref<128x64xf32, #tpu.memory_space<vmem>>
        %dma_start3A_498 = arith.constant 0 : i32
        %dma_start3A_499 = tpu.memref_slice %arg5[%add3A_218, %dma_start3A_498] : memref<200x128xi32, #tpu.memory_space<vmem>> -> memref<1x128xi32, #tpu.memory_space<vmem>>
        %dma_start3A_500 = tpu.memref_squeeze %dma_start3A_499 : memref<1x128xi32, #tpu.memory_space<vmem>> -> memref<128xi32, #tpu.memory_space<vmem>>
        %dma_start3A_501 = arith.constant 0 : i32
        %dma_start3A_502 = arith.constant 0 : i32
        %dma_start3A_503 = tpu.memref_slice %arg2[%dma_start3A_501, %dma_start3A_502] : memref<100000x64xf32, #tpu.memory_space<hbm>> -> memref<100000x64xf32, #tpu.memory_space<hbm>>
        %dma_start3A_504 = tpu.memref_slice %arg7[%dma_start3A_493] : memref<8x!tpu.dma_semaphore, #tpu.memory_space<semaphore_mem>> -> memref<1x!tpu.dma_semaphore, #tpu.memory_space<semaphore_mem>>
        %dma_start3A_505 = tpu.memref_squeeze %dma_start3A_504 : memref<1x!tpu.dma_semaphore, #tpu.memory_space<semaphore_mem>> -> memref<!tpu.dma_semaphore, #tpu.memory_space<semaphore_mem>>
        tpu.enqueue_indirect_dma source(%dma_start3A_503 : memref<100000x64xf32, #tpu.memory_space<hbm>>) target(%dma_start3A_497 : memref<128x64xf32, #tpu.memory_space<vmem>>) offsets(%dma_start3A_500 : memref<128xi32, #tpu.memory_space<vmem>>) semaphore(%dma_start3A_505 : memref<!tpu.dma_semaphore, #tpu.memory_space<semaphore_mem>>)
      } else {
      }
      %mul3A_224 = arith.constant 8 : i32
      %mul3A_225 = arith.muli %scan3A_138, %mul3A_224 : i32
      %add3A_226 = arith.constant 2 : i32
      %add3A_227 = arith.addi %mul3A_225, %add3A_226 : i32
      %dma_wait3A_228 = arith.constant 2 : i32
      %dma_wait3A_229 = arith.constant 2 : i32
      %dma_wait3A_230 = arith.constant 0 : i32
      %dma_wait3A_231 = arith.constant 0 : i32
      %dma_wait3A_232 = tpu.memref_slice %arg6[%dma_wait3A_228, %dma_wait3A_230, %dma_wait3A_231] : memref<8x128x64xf32, #tpu.memory_space<vmem>> -> memref<1x128x64xf32, #tpu.memory_space<vmem>>
      %dma_wait3A_233 = tpu.memref_squeeze %dma_wait3A_232 : memref<1x128x64xf32, #tpu.memory_space<vmem>> -> memref<128x64xf32, #tpu.memory_space<vmem>>
      %dma_wait3A_234 = arith.constant 0 : i32
      %dma_wait3A_235 = tpu.memref_slice %arg5[%add3A_227, %dma_wait3A_234] : memref<200x128xi32, #tpu.memory_space<vmem>> -> memref<1x128xi32, #tpu.memory_space<vmem>>
      %dma_wait3A_236 = tpu.memref_squeeze %dma_wait3A_235 : memref<1x128xi32, #tpu.memory_space<vmem>> -> memref<128xi32, #tpu.memory_space<vmem>>
      %dma_wait3A_237 = arith.constant 0 : i32
      %dma_wait3A_238 = arith.constant 0 : i32
      %dma_wait3A_239 = tpu.memref_slice %arg2[%dma_wait3A_237, %dma_wait3A_238] : memref<100000x64xf32, #tpu.memory_space<hbm>> -> memref<100000x64xf32, #tpu.memory_space<hbm>>
      %dma_wait3A_240 = tpu.memref_slice %arg7[%dma_wait3A_229] : memref<8x!tpu.dma_semaphore, #tpu.memory_space<semaphore_mem>> -> memref<1x!tpu.dma_semaphore, #tpu.memory_space<semaphore_mem>>
      %dma_wait3A_241 = tpu.memref_squeeze %dma_wait3A_240 : memref<1x!tpu.dma_semaphore, #tpu.memory_space<semaphore_mem>> -> memref<!tpu.dma_semaphore, #tpu.memory_space<semaphore_mem>>
      tpu.wait_indirect_dma semaphore(%dma_wait3A_241 : memref<!tpu.dma_semaphore, #tpu.memory_space<semaphore_mem>>) src(%dma_wait3A_239 : memref<100000x64xf32, #tpu.memory_space<hbm>>) dst(%dma_wait3A_233 : memref<128x64xf32, #tpu.memory_space<vmem>>)
      %mul3A_242 = arith.constant 128 : i32
      %mul3A_243 = arith.muli %add3A_227, %mul3A_242 : i32
      %add3A_244 = arith.addi %mul3A_2, %mul3A_243 : i32
      %dma_start3A_245 = arith.constant 2 : i32
      %dma_start3A_246 = arith.constant 2 : i32
      %dma_start3A_247 = arith.constant 0 : i32
      %dma_start3A_248 = arith.constant 0 : i32
      %dma_start3A_249 = tpu.memref_slice %arg6[%dma_start3A_245, %dma_start3A_247, %dma_start3A_248] : memref<8x128x64xf32, #tpu.memory_space<vmem>> -> memref<1x128x64xf32, #tpu.memory_space<vmem>>
      %dma_start3A_250 = tpu.memref_squeeze %dma_start3A_249 : memref<1x128x64xf32, #tpu.memory_space<vmem>> -> memref<128x64xf32, #tpu.memory_space<vmem>>
      %dma_start3A_251 = arith.constant 0 : i32
      %dma_start3A_252 = tpu.memref_slice %arg4[%add3A_244, %dma_start3A_251] : memref<819200x64xf32, #tpu.memory_space<hbm>> -> memref<128x64xf32, #tpu.memory_space<hbm>>
      %dma_start3A_253 = tpu.memref_slice %arg8[%dma_start3A_246] : memref<8x!tpu.dma_semaphore, #tpu.memory_space<semaphore_mem>> -> memref<1x!tpu.dma_semaphore, #tpu.memory_space<semaphore_mem>>
      %dma_start3A_254 = tpu.memref_squeeze %dma_start3A_253 : memref<1x!tpu.dma_semaphore, #tpu.memory_space<semaphore_mem>> -> memref<!tpu.dma_semaphore, #tpu.memory_space<semaphore_mem>>
      %dma_start3A_255 = arith.constant 0 : i32
      %dma_start3A_256 = tpu.memref_slice %arg4[%add3A_244, %dma_start3A_255] : memref<819200x64xf32, #tpu.memory_space<hbm>> -> memref<128x64xf32, #tpu.memory_space<hbm>>
      %dma_start3A_257 = arith.constant 0 : i32
      %dma_start3A_258 = arith.constant 0 : i32
      %dma_start3A_259 = tpu.memref_slice %arg6[%dma_start3A_245, %dma_start3A_257, %dma_start3A_258] : memref<8x128x64xf32, #tpu.memory_space<vmem>> -> memref<1x128x64xf32, #tpu.memory_space<vmem>>
      %dma_start3A_260 = tpu.memref_squeeze %dma_start3A_259 : memref<1x128x64xf32, #tpu.memory_space<vmem>> -> memref<128x64xf32, #tpu.memory_space<vmem>>
      tpu.enqueue_dma source(%dma_start3A_260 : memref<128x64xf32, #tpu.memory_space<vmem>>) target(%dma_start3A_256 : memref<128x64xf32, #tpu.memory_space<hbm>>) target_semaphore(%dma_start3A_254 : memref<!tpu.dma_semaphore, #tpu.memory_space<semaphore_mem>>)
      %add3A_261 = arith.constant 4 : i32
      %add3A_262 = arith.addi %add3A_227, %add3A_261 : i32
      %lt3A_263 = arith.constant 200 : i32
      %lt3A_264 = arith.cmpi slt, %add3A_262, %lt3A_263 : i32
      %convert_element_type3A_265 = arith.extui %lt3A_264 : i1 to i32
      %cond3A_266 = arith.constant 0 : i32
      %cond3A_267 = arith.cmpi ne, %convert_element_type3A_265, %cond3A_266 : i32
      scf.if %cond3A_267 {
        %ge3A = arith.constant 8 : i32
        %ge3A_488 = arith.cmpi sge, %add3A_262, %ge3A : i32
        %convert_element_type3A_489 = arith.extui %ge3A_488 : i1 to i32
        %cond3A_490 = arith.constant 0 : i32
        %cond3A_491 = arith.cmpi ne, %convert_element_type3A_489, %cond3A_490 : i32
        scf.if %cond3A_491 {
          %sub3A = arith.constant 8 : i32
          %sub3A_506 = arith.subi %add3A_262, %sub3A : i32
          %mul3A_507 = arith.constant 128 : i32
          %mul3A_508 = arith.muli %sub3A_506, %mul3A_507 : i32
          %add3A_509 = arith.addi %mul3A_2, %mul3A_508 : i32
          %dma_wait3A_510 = arith.constant 6 : i32
          %dma_wait3A_511 = arith.constant 6 : i32
          %dma_wait3A_512 = arith.constant 0 : i32
          %dma_wait3A_513 = arith.constant 0 : i32
          %dma_wait3A_514 = tpu.memref_slice %arg6[%dma_wait3A_510, %dma_wait3A_512, %dma_wait3A_513] : memref<8x128x64xf32, #tpu.memory_space<vmem>> -> memref<1x128x64xf32, #tpu.memory_space<vmem>>
          %dma_wait3A_515 = tpu.memref_squeeze %dma_wait3A_514 : memref<1x128x64xf32, #tpu.memory_space<vmem>> -> memref<128x64xf32, #tpu.memory_space<vmem>>
          %dma_wait3A_516 = arith.constant 0 : i32
          %dma_wait3A_517 = tpu.memref_slice %arg4[%add3A_509, %dma_wait3A_516] : memref<819200x64xf32, #tpu.memory_space<hbm>> -> memref<128x64xf32, #tpu.memory_space<hbm>>
          %dma_wait3A_518 = tpu.memref_slice %arg8[%dma_wait3A_511] : memref<8x!tpu.dma_semaphore, #tpu.memory_space<semaphore_mem>> -> memref<1x!tpu.dma_semaphore, #tpu.memory_space<semaphore_mem>>
          %dma_wait3A_519 = tpu.memref_squeeze %dma_wait3A_518 : memref<1x!tpu.dma_semaphore, #tpu.memory_space<semaphore_mem>> -> memref<!tpu.dma_semaphore, #tpu.memory_space<semaphore_mem>>
          %dma_wait3A_520 = arith.constant 0 : i32
          %dma_wait3A_521 = tpu.memref_slice %arg4[%add3A_509, %dma_wait3A_520] : memref<819200x64xf32, #tpu.memory_space<hbm>> -> memref<128x64xf32, #tpu.memory_space<hbm>>
          %dma_wait3A_522 = arith.constant 0 : i32
          %dma_wait3A_523 = arith.constant 0 : i32
          %dma_wait3A_524 = tpu.memref_slice %arg6[%dma_wait3A_510, %dma_wait3A_522, %dma_wait3A_523] : memref<8x128x64xf32, #tpu.memory_space<vmem>> -> memref<1x128x64xf32, #tpu.memory_space<vmem>>
          %dma_wait3A_525 = tpu.memref_squeeze %dma_wait3A_524 : memref<1x128x64xf32, #tpu.memory_space<vmem>> -> memref<128x64xf32, #tpu.memory_space<vmem>>
          tpu.wait_dma2 semaphore(%dma_wait3A_519 : memref<!tpu.dma_semaphore, #tpu.memory_space<semaphore_mem>>) src(%dma_wait3A_525 : memref<128x64xf32, #tpu.memory_space<vmem>>) dst(%dma_wait3A_521 : memref<128x64xf32, #tpu.memory_space<hbm>>)
        } else {
        }
        %dma_start3A_492 = arith.constant 6 : i32
        %dma_start3A_493 = arith.constant 6 : i32
        %dma_start3A_494 = arith.constant 0 : i32
        %dma_start3A_495 = arith.constant 0 : i32
        %dma_start3A_496 = tpu.memref_slice %arg6[%dma_start3A_492, %dma_start3A_494, %dma_start3A_495] : memref<8x128x64xf32, #tpu.memory_space<vmem>> -> memref<1x128x64xf32, #tpu.memory_space<vmem>>
        %dma_start3A_497 = tpu.memref_squeeze %dma_start3A_496 : memref<1x128x64xf32, #tpu.memory_space<vmem>> -> memref<128x64xf32, #tpu.memory_space<vmem>>
        %dma_start3A_498 = arith.constant 0 : i32
        %dma_start3A_499 = tpu.memref_slice %arg5[%add3A_262, %dma_start3A_498] : memref<200x128xi32, #tpu.memory_space<vmem>> -> memref<1x128xi32, #tpu.memory_space<vmem>>
        %dma_start3A_500 = tpu.memref_squeeze %dma_start3A_499 : memref<1x128xi32, #tpu.memory_space<vmem>> -> memref<128xi32, #tpu.memory_space<vmem>>
        %dma_start3A_501 = arith.constant 0 : i32
        %dma_start3A_502 = arith.constant 0 : i32
        %dma_start3A_503 = tpu.memref_slice %arg2[%dma_start3A_501, %dma_start3A_502] : memref<100000x64xf32, #tpu.memory_space<hbm>> -> memref<100000x64xf32, #tpu.memory_space<hbm>>
        %dma_start3A_504 = tpu.memref_slice %arg7[%dma_start3A_493] : memref<8x!tpu.dma_semaphore, #tpu.memory_space<semaphore_mem>> -> memref<1x!tpu.dma_semaphore, #tpu.memory_space<semaphore_mem>>
        %dma_start3A_505 = tpu.memref_squeeze %dma_start3A_504 : memref<1x!tpu.dma_semaphore, #tpu.memory_space<semaphore_mem>> -> memref<!tpu.dma_semaphore, #tpu.memory_space<semaphore_mem>>
        tpu.enqueue_indirect_dma source(%dma_start3A_503 : memref<100000x64xf32, #tpu.memory_space<hbm>>) target(%dma_start3A_497 : memref<128x64xf32, #tpu.memory_space<vmem>>) offsets(%dma_start3A_500 : memref<128xi32, #tpu.memory_space<vmem>>) semaphore(%dma_start3A_505 : memref<!tpu.dma_semaphore, #tpu.memory_space<semaphore_mem>>)
      } else {
      }
      %mul3A_268 = arith.constant 8 : i32
      %mul3A_269 = arith.muli %scan3A_138, %mul3A_268 : i32
      %add3A_270 = arith.constant 3 : i32
      %add3A_271 = arith.addi %mul3A_269, %add3A_270 : i32
      %dma_wait3A_272 = arith.constant 3 : i32
      %dma_wait3A_273 = arith.constant 3 : i32
      %dma_wait3A_274 = arith.constant 0 : i32
      %dma_wait3A_275 = arith.constant 0 : i32
      %dma_wait3A_276 = tpu.memref_slice %arg6[%dma_wait3A_272, %dma_wait3A_274, %dma_wait3A_275] : memref<8x128x64xf32, #tpu.memory_space<vmem>> -> memref<1x128x64xf32, #tpu.memory_space<vmem>>
      %dma_wait3A_277 = tpu.memref_squeeze %dma_wait3A_276 : memref<1x128x64xf32, #tpu.memory_space<vmem>> -> memref<128x64xf32, #tpu.memory_space<vmem>>
      %dma_wait3A_278 = arith.constant 0 : i32
      %dma_wait3A_279 = tpu.memref_slice %arg5[%add3A_271, %dma_wait3A_278] : memref<200x128xi32, #tpu.memory_space<vmem>> -> memref<1x128xi32, #tpu.memory_space<vmem>>
      %dma_wait3A_280 = tpu.memref_squeeze %dma_wait3A_279 : memref<1x128xi32, #tpu.memory_space<vmem>> -> memref<128xi32, #tpu.memory_space<vmem>>
      %dma_wait3A_281 = arith.constant 0 : i32
      %dma_wait3A_282 = arith.constant 0 : i32
      %dma_wait3A_283 = tpu.memref_slice %arg2[%dma_wait3A_281, %dma_wait3A_282] : memref<100000x64xf32, #tpu.memory_space<hbm>> -> memref<100000x64xf32, #tpu.memory_space<hbm>>
      %dma_wait3A_284 = tpu.memref_slice %arg7[%dma_wait3A_273] : memref<8x!tpu.dma_semaphore, #tpu.memory_space<semaphore_mem>> -> memref<1x!tpu.dma_semaphore, #tpu.memory_space<semaphore_mem>>
      %dma_wait3A_285 = tpu.memref_squeeze %dma_wait3A_284 : memref<1x!tpu.dma_semaphore, #tpu.memory_space<semaphore_mem>> -> memref<!tpu.dma_semaphore, #tpu.memory_space<semaphore_mem>>
      tpu.wait_indirect_dma semaphore(%dma_wait3A_285 : memref<!tpu.dma_semaphore, #tpu.memory_space<semaphore_mem>>) src(%dma_wait3A_283 : memref<100000x64xf32, #tpu.memory_space<hbm>>) dst(%dma_wait3A_277 : memref<128x64xf32, #tpu.memory_space<vmem>>)
      %mul3A_286 = arith.constant 128 : i32
      %mul3A_287 = arith.muli %add3A_271, %mul3A_286 : i32
      %add3A_288 = arith.addi %mul3A_2, %mul3A_287 : i32
      %dma_start3A_289 = arith.constant 3 : i32
      %dma_start3A_290 = arith.constant 3 : i32
      %dma_start3A_291 = arith.constant 0 : i32
      %dma_start3A_292 = arith.constant 0 : i32
      %dma_start3A_293 = tpu.memref_slice %arg6[%dma_start3A_289, %dma_start3A_291, %dma_start3A_292] : memref<8x128x64xf32, #tpu.memory_space<vmem>> -> memref<1x128x64xf32, #tpu.memory_space<vmem>>
      %dma_start3A_294 = tpu.memref_squeeze %dma_start3A_293 : memref<1x128x64xf32, #tpu.memory_space<vmem>> -> memref<128x64xf32, #tpu.memory_space<vmem>>
      %dma_start3A_295 = arith.constant 0 : i32
      %dma_start3A_296 = tpu.memref_slice %arg4[%add3A_288, %dma_start3A_295] : memref<819200x64xf32, #tpu.memory_space<hbm>> -> memref<128x64xf32, #tpu.memory_space<hbm>>
      %dma_start3A_297 = tpu.memref_slice %arg8[%dma_start3A_290] : memref<8x!tpu.dma_semaphore, #tpu.memory_space<semaphore_mem>> -> memref<1x!tpu.dma_semaphore, #tpu.memory_space<semaphore_mem>>
      %dma_start3A_298 = tpu.memref_squeeze %dma_start3A_297 : memref<1x!tpu.dma_semaphore, #tpu.memory_space<semaphore_mem>> -> memref<!tpu.dma_semaphore, #tpu.memory_space<semaphore_mem>>
      %dma_start3A_299 = arith.constant 0 : i32
      %dma_start3A_300 = tpu.memref_slice %arg4[%add3A_288, %dma_start3A_299] : memref<819200x64xf32, #tpu.memory_space<hbm>> -> memref<128x64xf32, #tpu.memory_space<hbm>>
      %dma_start3A_301 = arith.constant 0 : i32
      %dma_start3A_302 = arith.constant 0 : i32
      %dma_start3A_303 = tpu.memref_slice %arg6[%dma_start3A_289, %dma_start3A_301, %dma_start3A_302] : memref<8x128x64xf32, #tpu.memory_space<vmem>> -> memref<1x128x64xf32, #tpu.memory_space<vmem>>
      %dma_start3A_304 = tpu.memref_squeeze %dma_start3A_303 : memref<1x128x64xf32, #tpu.memory_space<vmem>> -> memref<128x64xf32, #tpu.memory_space<vmem>>
      tpu.enqueue_dma source(%dma_start3A_304 : memref<128x64xf32, #tpu.memory_space<vmem>>) target(%dma_start3A_300 : memref<128x64xf32, #tpu.memory_space<hbm>>) target_semaphore(%dma_start3A_298 : memref<!tpu.dma_semaphore, #tpu.memory_space<semaphore_mem>>)
      %add3A_305 = arith.constant 4 : i32
      %add3A_306 = arith.addi %add3A_271, %add3A_305 : i32
      %lt3A_307 = arith.constant 200 : i32
      %lt3A_308 = arith.cmpi slt, %add3A_306, %lt3A_307 : i32
      %convert_element_type3A_309 = arith.extui %lt3A_308 : i1 to i32
      %cond3A_310 = arith.constant 0 : i32
      %cond3A_311 = arith.cmpi ne, %convert_element_type3A_309, %cond3A_310 : i32
      scf.if %cond3A_311 {
        %ge3A = arith.constant 8 : i32
        %ge3A_488 = arith.cmpi sge, %add3A_306, %ge3A : i32
        %convert_element_type3A_489 = arith.extui %ge3A_488 : i1 to i32
        %cond3A_490 = arith.constant 0 : i32
        %cond3A_491 = arith.cmpi ne, %convert_element_type3A_489, %cond3A_490 : i32
        scf.if %cond3A_491 {
          %sub3A = arith.constant 8 : i32
          %sub3A_506 = arith.subi %add3A_306, %sub3A : i32
          %mul3A_507 = arith.constant 128 : i32
          %mul3A_508 = arith.muli %sub3A_506, %mul3A_507 : i32
          %add3A_509 = arith.addi %mul3A_2, %mul3A_508 : i32
          %dma_wait3A_510 = arith.constant 7 : i32
          %dma_wait3A_511 = arith.constant 7 : i32
          %dma_wait3A_512 = arith.constant 0 : i32
          %dma_wait3A_513 = arith.constant 0 : i32
          %dma_wait3A_514 = tpu.memref_slice %arg6[%dma_wait3A_510, %dma_wait3A_512, %dma_wait3A_513] : memref<8x128x64xf32, #tpu.memory_space<vmem>> -> memref<1x128x64xf32, #tpu.memory_space<vmem>>
          %dma_wait3A_515 = tpu.memref_squeeze %dma_wait3A_514 : memref<1x128x64xf32, #tpu.memory_space<vmem>> -> memref<128x64xf32, #tpu.memory_space<vmem>>
          %dma_wait3A_516 = arith.constant 0 : i32
          %dma_wait3A_517 = tpu.memref_slice %arg4[%add3A_509, %dma_wait3A_516] : memref<819200x64xf32, #tpu.memory_space<hbm>> -> memref<128x64xf32, #tpu.memory_space<hbm>>
          %dma_wait3A_518 = tpu.memref_slice %arg8[%dma_wait3A_511] : memref<8x!tpu.dma_semaphore, #tpu.memory_space<semaphore_mem>> -> memref<1x!tpu.dma_semaphore, #tpu.memory_space<semaphore_mem>>
          %dma_wait3A_519 = tpu.memref_squeeze %dma_wait3A_518 : memref<1x!tpu.dma_semaphore, #tpu.memory_space<semaphore_mem>> -> memref<!tpu.dma_semaphore, #tpu.memory_space<semaphore_mem>>
          %dma_wait3A_520 = arith.constant 0 : i32
          %dma_wait3A_521 = tpu.memref_slice %arg4[%add3A_509, %dma_wait3A_520] : memref<819200x64xf32, #tpu.memory_space<hbm>> -> memref<128x64xf32, #tpu.memory_space<hbm>>
          %dma_wait3A_522 = arith.constant 0 : i32
          %dma_wait3A_523 = arith.constant 0 : i32
          %dma_wait3A_524 = tpu.memref_slice %arg6[%dma_wait3A_510, %dma_wait3A_522, %dma_wait3A_523] : memref<8x128x64xf32, #tpu.memory_space<vmem>> -> memref<1x128x64xf32, #tpu.memory_space<vmem>>
          %dma_wait3A_525 = tpu.memref_squeeze %dma_wait3A_524 : memref<1x128x64xf32, #tpu.memory_space<vmem>> -> memref<128x64xf32, #tpu.memory_space<vmem>>
          tpu.wait_dma2 semaphore(%dma_wait3A_519 : memref<!tpu.dma_semaphore, #tpu.memory_space<semaphore_mem>>) src(%dma_wait3A_525 : memref<128x64xf32, #tpu.memory_space<vmem>>) dst(%dma_wait3A_521 : memref<128x64xf32, #tpu.memory_space<hbm>>)
        } else {
        }
        %dma_start3A_492 = arith.constant 7 : i32
        %dma_start3A_493 = arith.constant 7 : i32
        %dma_start3A_494 = arith.constant 0 : i32
        %dma_start3A_495 = arith.constant 0 : i32
        %dma_start3A_496 = tpu.memref_slice %arg6[%dma_start3A_492, %dma_start3A_494, %dma_start3A_495] : memref<8x128x64xf32, #tpu.memory_space<vmem>> -> memref<1x128x64xf32, #tpu.memory_space<vmem>>
        %dma_start3A_497 = tpu.memref_squeeze %dma_start3A_496 : memref<1x128x64xf32, #tpu.memory_space<vmem>> -> memref<128x64xf32, #tpu.memory_space<vmem>>
        %dma_start3A_498 = arith.constant 0 : i32
        %dma_start3A_499 = tpu.memref_slice %arg5[%add3A_306, %dma_start3A_498] : memref<200x128xi32, #tpu.memory_space<vmem>> -> memref<1x128xi32, #tpu.memory_space<vmem>>
        %dma_start3A_500 = tpu.memref_squeeze %dma_start3A_499 : memref<1x128xi32, #tpu.memory_space<vmem>> -> memref<128xi32, #tpu.memory_space<vmem>>
        %dma_start3A_501 = arith.constant 0 : i32
        %dma_start3A_502 = arith.constant 0 : i32
        %dma_start3A_503 = tpu.memref_slice %arg2[%dma_start3A_501, %dma_start3A_502] : memref<100000x64xf32, #tpu.memory_space<hbm>> -> memref<100000x64xf32, #tpu.memory_space<hbm>>
        %dma_start3A_504 = tpu.memref_slice %arg7[%dma_start3A_493] : memref<8x!tpu.dma_semaphore, #tpu.memory_space<semaphore_mem>> -> memref<1x!tpu.dma_semaphore, #tpu.memory_space<semaphore_mem>>
        %dma_start3A_505 = tpu.memref_squeeze %dma_start3A_504 : memref<1x!tpu.dma_semaphore, #tpu.memory_space<semaphore_mem>> -> memref<!tpu.dma_semaphore, #tpu.memory_space<semaphore_mem>>
        tpu.enqueue_indirect_dma source(%dma_start3A_503 : memref<100000x64xf32, #tpu.memory_space<hbm>>) target(%dma_start3A_497 : memref<128x64xf32, #tpu.memory_space<vmem>>) offsets(%dma_start3A_500 : memref<128xi32, #tpu.memory_space<vmem>>) semaphore(%dma_start3A_505 : memref<!tpu.dma_semaphore, #tpu.memory_space<semaphore_mem>>)
      } else {
      }
      %mul3A_312 = arith.constant 8 : i32
      %mul3A_313 = arith.muli %scan3A_138, %mul3A_312 : i32
      %add3A_314 = arith.constant 4 : i32
      %add3A_315 = arith.addi %mul3A_313, %add3A_314 : i32
      %dma_wait3A_316 = arith.constant 4 : i32
      %dma_wait3A_317 = arith.constant 4 : i32
      %dma_wait3A_318 = arith.constant 0 : i32
      %dma_wait3A_319 = arith.constant 0 : i32
      %dma_wait3A_320 = tpu.memref_slice %arg6[%dma_wait3A_316, %dma_wait3A_318, %dma_wait3A_319] : memref<8x128x64xf32, #tpu.memory_space<vmem>> -> memref<1x128x64xf32, #tpu.memory_space<vmem>>
      %dma_wait3A_321 = tpu.memref_squeeze %dma_wait3A_320 : memref<1x128x64xf32, #tpu.memory_space<vmem>> -> memref<128x64xf32, #tpu.memory_space<vmem>>
      %dma_wait3A_322 = arith.constant 0 : i32
      %dma_wait3A_323 = tpu.memref_slice %arg5[%add3A_315, %dma_wait3A_322] : memref<200x128xi32, #tpu.memory_space<vmem>> -> memref<1x128xi32, #tpu.memory_space<vmem>>
      %dma_wait3A_324 = tpu.memref_squeeze %dma_wait3A_323 : memref<1x128xi32, #tpu.memory_space<vmem>> -> memref<128xi32, #tpu.memory_space<vmem>>
      %dma_wait3A_325 = arith.constant 0 : i32
      %dma_wait3A_326 = arith.constant 0 : i32
      %dma_wait3A_327 = tpu.memref_slice %arg2[%dma_wait3A_325, %dma_wait3A_326] : memref<100000x64xf32, #tpu.memory_space<hbm>> -> memref<100000x64xf32, #tpu.memory_space<hbm>>
      %dma_wait3A_328 = tpu.memref_slice %arg7[%dma_wait3A_317] : memref<8x!tpu.dma_semaphore, #tpu.memory_space<semaphore_mem>> -> memref<1x!tpu.dma_semaphore, #tpu.memory_space<semaphore_mem>>
      %dma_wait3A_329 = tpu.memref_squeeze %dma_wait3A_328 : memref<1x!tpu.dma_semaphore, #tpu.memory_space<semaphore_mem>> -> memref<!tpu.dma_semaphore, #tpu.memory_space<semaphore_mem>>
      tpu.wait_indirect_dma semaphore(%dma_wait3A_329 : memref<!tpu.dma_semaphore, #tpu.memory_space<semaphore_mem>>) src(%dma_wait3A_327 : memref<100000x64xf32, #tpu.memory_space<hbm>>) dst(%dma_wait3A_321 : memref<128x64xf32, #tpu.memory_space<vmem>>)
      %mul3A_330 = arith.constant 128 : i32
      %mul3A_331 = arith.muli %add3A_315, %mul3A_330 : i32
      %add3A_332 = arith.addi %mul3A_2, %mul3A_331 : i32
      %dma_start3A_333 = arith.constant 4 : i32
      %dma_start3A_334 = arith.constant 4 : i32
      %dma_start3A_335 = arith.constant 0 : i32
      %dma_start3A_336 = arith.constant 0 : i32
      %dma_start3A_337 = tpu.memref_slice %arg6[%dma_start3A_333, %dma_start3A_335, %dma_start3A_336] : memref<8x128x64xf32, #tpu.memory_space<vmem>> -> memref<1x128x64xf32, #tpu.memory_space<vmem>>
      %dma_start3A_338 = tpu.memref_squeeze %dma_start3A_337 : memref<1x128x64xf32, #tpu.memory_space<vmem>> -> memref<128x64xf32, #tpu.memory_space<vmem>>
      %dma_start3A_339 = arith.constant 0 : i32
      %dma_start3A_340 = tpu.memref_slice %arg4[%add3A_332, %dma_start3A_339] : memref<819200x64xf32, #tpu.memory_space<hbm>> -> memref<128x64xf32, #tpu.memory_space<hbm>>
      %dma_start3A_341 = tpu.memref_slice %arg8[%dma_start3A_334] : memref<8x!tpu.dma_semaphore, #tpu.memory_space<semaphore_mem>> -> memref<1x!tpu.dma_semaphore, #tpu.memory_space<semaphore_mem>>
      %dma_start3A_342 = tpu.memref_squeeze %dma_start3A_341 : memref<1x!tpu.dma_semaphore, #tpu.memory_space<semaphore_mem>> -> memref<!tpu.dma_semaphore, #tpu.memory_space<semaphore_mem>>
      %dma_start3A_343 = arith.constant 0 : i32
      %dma_start3A_344 = tpu.memref_slice %arg4[%add3A_332, %dma_start3A_343] : memref<819200x64xf32, #tpu.memory_space<hbm>> -> memref<128x64xf32, #tpu.memory_space<hbm>>
      %dma_start3A_345 = arith.constant 0 : i32
      %dma_start3A_346 = arith.constant 0 : i32
      %dma_start3A_347 = tpu.memref_slice %arg6[%dma_start3A_333, %dma_start3A_345, %dma_start3A_346] : memref<8x128x64xf32, #tpu.memory_space<vmem>> -> memref<1x128x64xf32, #tpu.memory_space<vmem>>
      %dma_start3A_348 = tpu.memref_squeeze %dma_start3A_347 : memref<1x128x64xf32, #tpu.memory_space<vmem>> -> memref<128x64xf32, #tpu.memory_space<vmem>>
      tpu.enqueue_dma source(%dma_start3A_348 : memref<128x64xf32, #tpu.memory_space<vmem>>) target(%dma_start3A_344 : memref<128x64xf32, #tpu.memory_space<hbm>>) target_semaphore(%dma_start3A_342 : memref<!tpu.dma_semaphore, #tpu.memory_space<semaphore_mem>>)
      %add3A_349 = arith.constant 4 : i32
      %add3A_350 = arith.addi %add3A_315, %add3A_349 : i32
      %lt3A_351 = arith.constant 200 : i32
      %lt3A_352 = arith.cmpi slt, %add3A_350, %lt3A_351 : i32
      %convert_element_type3A_353 = arith.extui %lt3A_352 : i1 to i32
      %cond3A_354 = arith.constant 0 : i32
      %cond3A_355 = arith.cmpi ne, %convert_element_type3A_353, %cond3A_354 : i32
      scf.if %cond3A_355 {
        %ge3A = arith.constant 8 : i32
        %ge3A_488 = arith.cmpi sge, %add3A_350, %ge3A : i32
        %convert_element_type3A_489 = arith.extui %ge3A_488 : i1 to i32
        %cond3A_490 = arith.constant 0 : i32
        %cond3A_491 = arith.cmpi ne, %convert_element_type3A_489, %cond3A_490 : i32
        scf.if %cond3A_491 {
          %sub3A = arith.constant 8 : i32
          %sub3A_506 = arith.subi %add3A_350, %sub3A : i32
          %mul3A_507 = arith.constant 128 : i32
          %mul3A_508 = arith.muli %sub3A_506, %mul3A_507 : i32
          %add3A_509 = arith.addi %mul3A_2, %mul3A_508 : i32
          %dma_wait3A_510 = arith.constant 0 : i32
          %dma_wait3A_511 = arith.constant 0 : i32
          %dma_wait3A_512 = arith.constant 0 : i32
          %dma_wait3A_513 = arith.constant 0 : i32
          %dma_wait3A_514 = tpu.memref_slice %arg6[%dma_wait3A_510, %dma_wait3A_512, %dma_wait3A_513] : memref<8x128x64xf32, #tpu.memory_space<vmem>> -> memref<1x128x64xf32, #tpu.memory_space<vmem>>
          %dma_wait3A_515 = tpu.memref_squeeze %dma_wait3A_514 : memref<1x128x64xf32, #tpu.memory_space<vmem>> -> memref<128x64xf32, #tpu.memory_space<vmem>>
          %dma_wait3A_516 = arith.constant 0 : i32
          %dma_wait3A_517 = tpu.memref_slice %arg4[%add3A_509, %dma_wait3A_516] : memref<819200x64xf32, #tpu.memory_space<hbm>> -> memref<128x64xf32, #tpu.memory_space<hbm>>
          %dma_wait3A_518 = tpu.memref_slice %arg8[%dma_wait3A_511] : memref<8x!tpu.dma_semaphore, #tpu.memory_space<semaphore_mem>> -> memref<1x!tpu.dma_semaphore, #tpu.memory_space<semaphore_mem>>
          %dma_wait3A_519 = tpu.memref_squeeze %dma_wait3A_518 : memref<1x!tpu.dma_semaphore, #tpu.memory_space<semaphore_mem>> -> memref<!tpu.dma_semaphore, #tpu.memory_space<semaphore_mem>>
          %dma_wait3A_520 = arith.constant 0 : i32
          %dma_wait3A_521 = tpu.memref_slice %arg4[%add3A_509, %dma_wait3A_520] : memref<819200x64xf32, #tpu.memory_space<hbm>> -> memref<128x64xf32, #tpu.memory_space<hbm>>
          %dma_wait3A_522 = arith.constant 0 : i32
          %dma_wait3A_523 = arith.constant 0 : i32
          %dma_wait3A_524 = tpu.memref_slice %arg6[%dma_wait3A_510, %dma_wait3A_522, %dma_wait3A_523] : memref<8x128x64xf32, #tpu.memory_space<vmem>> -> memref<1x128x64xf32, #tpu.memory_space<vmem>>
          %dma_wait3A_525 = tpu.memref_squeeze %dma_wait3A_524 : memref<1x128x64xf32, #tpu.memory_space<vmem>> -> memref<128x64xf32, #tpu.memory_space<vmem>>
          tpu.wait_dma2 semaphore(%dma_wait3A_519 : memref<!tpu.dma_semaphore, #tpu.memory_space<semaphore_mem>>) src(%dma_wait3A_525 : memref<128x64xf32, #tpu.memory_space<vmem>>) dst(%dma_wait3A_521 : memref<128x64xf32, #tpu.memory_space<hbm>>)
        } else {
        }
        %dma_start3A_492 = arith.constant 0 : i32
        %dma_start3A_493 = arith.constant 0 : i32
        %dma_start3A_494 = arith.constant 0 : i32
        %dma_start3A_495 = arith.constant 0 : i32
        %dma_start3A_496 = tpu.memref_slice %arg6[%dma_start3A_492, %dma_start3A_494, %dma_start3A_495] : memref<8x128x64xf32, #tpu.memory_space<vmem>> -> memref<1x128x64xf32, #tpu.memory_space<vmem>>
        %dma_start3A_497 = tpu.memref_squeeze %dma_start3A_496 : memref<1x128x64xf32, #tpu.memory_space<vmem>> -> memref<128x64xf32, #tpu.memory_space<vmem>>
        %dma_start3A_498 = arith.constant 0 : i32
        %dma_start3A_499 = tpu.memref_slice %arg5[%add3A_350, %dma_start3A_498] : memref<200x128xi32, #tpu.memory_space<vmem>> -> memref<1x128xi32, #tpu.memory_space<vmem>>
        %dma_start3A_500 = tpu.memref_squeeze %dma_start3A_499 : memref<1x128xi32, #tpu.memory_space<vmem>> -> memref<128xi32, #tpu.memory_space<vmem>>
        %dma_start3A_501 = arith.constant 0 : i32
        %dma_start3A_502 = arith.constant 0 : i32
        %dma_start3A_503 = tpu.memref_slice %arg2[%dma_start3A_501, %dma_start3A_502] : memref<100000x64xf32, #tpu.memory_space<hbm>> -> memref<100000x64xf32, #tpu.memory_space<hbm>>
        %dma_start3A_504 = tpu.memref_slice %arg7[%dma_start3A_493] : memref<8x!tpu.dma_semaphore, #tpu.memory_space<semaphore_mem>> -> memref<1x!tpu.dma_semaphore, #tpu.memory_space<semaphore_mem>>
        %dma_start3A_505 = tpu.memref_squeeze %dma_start3A_504 : memref<1x!tpu.dma_semaphore, #tpu.memory_space<semaphore_mem>> -> memref<!tpu.dma_semaphore, #tpu.memory_space<semaphore_mem>>
        tpu.enqueue_indirect_dma source(%dma_start3A_503 : memref<100000x64xf32, #tpu.memory_space<hbm>>) target(%dma_start3A_497 : memref<128x64xf32, #tpu.memory_space<vmem>>) offsets(%dma_start3A_500 : memref<128xi32, #tpu.memory_space<vmem>>) semaphore(%dma_start3A_505 : memref<!tpu.dma_semaphore, #tpu.memory_space<semaphore_mem>>)
      } else {
      }
      %mul3A_356 = arith.constant 8 : i32
      %mul3A_357 = arith.muli %scan3A_138, %mul3A_356 : i32
      %add3A_358 = arith.constant 5 : i32
      %add3A_359 = arith.addi %mul3A_357, %add3A_358 : i32
      %dma_wait3A_360 = arith.constant 5 : i32
      %dma_wait3A_361 = arith.constant 5 : i32
      %dma_wait3A_362 = arith.constant 0 : i32
      %dma_wait3A_363 = arith.constant 0 : i32
      %dma_wait3A_364 = tpu.memref_slice %arg6[%dma_wait3A_360, %dma_wait3A_362, %dma_wait3A_363] : memref<8x128x64xf32, #tpu.memory_space<vmem>> -> memref<1x128x64xf32, #tpu.memory_space<vmem>>
      %dma_wait3A_365 = tpu.memref_squeeze %dma_wait3A_364 : memref<1x128x64xf32, #tpu.memory_space<vmem>> -> memref<128x64xf32, #tpu.memory_space<vmem>>
      %dma_wait3A_366 = arith.constant 0 : i32
      %dma_wait3A_367 = tpu.memref_slice %arg5[%add3A_359, %dma_wait3A_366] : memref<200x128xi32, #tpu.memory_space<vmem>> -> memref<1x128xi32, #tpu.memory_space<vmem>>
      %dma_wait3A_368 = tpu.memref_squeeze %dma_wait3A_367 : memref<1x128xi32, #tpu.memory_space<vmem>> -> memref<128xi32, #tpu.memory_space<vmem>>
      %dma_wait3A_369 = arith.constant 0 : i32
      %dma_wait3A_370 = arith.constant 0 : i32
      %dma_wait3A_371 = tpu.memref_slice %arg2[%dma_wait3A_369, %dma_wait3A_370] : memref<100000x64xf32, #tpu.memory_space<hbm>> -> memref<100000x64xf32, #tpu.memory_space<hbm>>
      %dma_wait3A_372 = tpu.memref_slice %arg7[%dma_wait3A_361] : memref<8x!tpu.dma_semaphore, #tpu.memory_space<semaphore_mem>> -> memref<1x!tpu.dma_semaphore, #tpu.memory_space<semaphore_mem>>
      %dma_wait3A_373 = tpu.memref_squeeze %dma_wait3A_372 : memref<1x!tpu.dma_semaphore, #tpu.memory_space<semaphore_mem>> -> memref<!tpu.dma_semaphore, #tpu.memory_space<semaphore_mem>>
      tpu.wait_indirect_dma semaphore(%dma_wait3A_373 : memref<!tpu.dma_semaphore, #tpu.memory_space<semaphore_mem>>) src(%dma_wait3A_371 : memref<100000x64xf32, #tpu.memory_space<hbm>>) dst(%dma_wait3A_365 : memref<128x64xf32, #tpu.memory_space<vmem>>)
      %mul3A_374 = arith.constant 128 : i32
      %mul3A_375 = arith.muli %add3A_359, %mul3A_374 : i32
      %add3A_376 = arith.addi %mul3A_2, %mul3A_375 : i32
      %dma_start3A_377 = arith.constant 5 : i32
      %dma_start3A_378 = arith.constant 5 : i32
      %dma_start3A_379 = arith.constant 0 : i32
      %dma_start3A_380 = arith.constant 0 : i32
      %dma_start3A_381 = tpu.memref_slice %arg6[%dma_start3A_377, %dma_start3A_379, %dma_start3A_380] : memref<8x128x64xf32, #tpu.memory_space<vmem>> -> memref<1x128x64xf32, #tpu.memory_space<vmem>>
      %dma_start3A_382 = tpu.memref_squeeze %dma_start3A_381 : memref<1x128x64xf32, #tpu.memory_space<vmem>> -> memref<128x64xf32, #tpu.memory_space<vmem>>
      %dma_start3A_383 = arith.constant 0 : i32
      %dma_start3A_384 = tpu.memref_slice %arg4[%add3A_376, %dma_start3A_383] : memref<819200x64xf32, #tpu.memory_space<hbm>> -> memref<128x64xf32, #tpu.memory_space<hbm>>
      %dma_start3A_385 = tpu.memref_slice %arg8[%dma_start3A_378] : memref<8x!tpu.dma_semaphore, #tpu.memory_space<semaphore_mem>> -> memref<1x!tpu.dma_semaphore, #tpu.memory_space<semaphore_mem>>
      %dma_start3A_386 = tpu.memref_squeeze %dma_start3A_385 : memref<1x!tpu.dma_semaphore, #tpu.memory_space<semaphore_mem>> -> memref<!tpu.dma_semaphore, #tpu.memory_space<semaphore_mem>>
      %dma_start3A_387 = arith.constant 0 : i32
      %dma_start3A_388 = tpu.memref_slice %arg4[%add3A_376, %dma_start3A_387] : memref<819200x64xf32, #tpu.memory_space<hbm>> -> memref<128x64xf32, #tpu.memory_space<hbm>>
      %dma_start3A_389 = arith.constant 0 : i32
      %dma_start3A_390 = arith.constant 0 : i32
      %dma_start3A_391 = tpu.memref_slice %arg6[%dma_start3A_377, %dma_start3A_389, %dma_start3A_390] : memref<8x128x64xf32, #tpu.memory_space<vmem>> -> memref<1x128x64xf32, #tpu.memory_space<vmem>>
      %dma_start3A_392 = tpu.memref_squeeze %dma_start3A_391 : memref<1x128x64xf32, #tpu.memory_space<vmem>> -> memref<128x64xf32, #tpu.memory_space<vmem>>
      tpu.enqueue_dma source(%dma_start3A_392 : memref<128x64xf32, #tpu.memory_space<vmem>>) target(%dma_start3A_388 : memref<128x64xf32, #tpu.memory_space<hbm>>) target_semaphore(%dma_start3A_386 : memref<!tpu.dma_semaphore, #tpu.memory_space<semaphore_mem>>)
      %add3A_393 = arith.constant 4 : i32
      %add3A_394 = arith.addi %add3A_359, %add3A_393 : i32
      %lt3A_395 = arith.constant 200 : i32
      %lt3A_396 = arith.cmpi slt, %add3A_394, %lt3A_395 : i32
      %convert_element_type3A_397 = arith.extui %lt3A_396 : i1 to i32
      %cond3A_398 = arith.constant 0 : i32
      %cond3A_399 = arith.cmpi ne, %convert_element_type3A_397, %cond3A_398 : i32
      scf.if %cond3A_399 {
        %ge3A = arith.constant 8 : i32
        %ge3A_488 = arith.cmpi sge, %add3A_394, %ge3A : i32
        %convert_element_type3A_489 = arith.extui %ge3A_488 : i1 to i32
        %cond3A_490 = arith.constant 0 : i32
        %cond3A_491 = arith.cmpi ne, %convert_element_type3A_489, %cond3A_490 : i32
        scf.if %cond3A_491 {
          %sub3A = arith.constant 8 : i32
          %sub3A_506 = arith.subi %add3A_394, %sub3A : i32
          %mul3A_507 = arith.constant 128 : i32
          %mul3A_508 = arith.muli %sub3A_506, %mul3A_507 : i32
          %add3A_509 = arith.addi %mul3A_2, %mul3A_508 : i32
          %dma_wait3A_510 = arith.constant 1 : i32
          %dma_wait3A_511 = arith.constant 1 : i32
          %dma_wait3A_512 = arith.constant 0 : i32
          %dma_wait3A_513 = arith.constant 0 : i32
          %dma_wait3A_514 = tpu.memref_slice %arg6[%dma_wait3A_510, %dma_wait3A_512, %dma_wait3A_513] : memref<8x128x64xf32, #tpu.memory_space<vmem>> -> memref<1x128x64xf32, #tpu.memory_space<vmem>>
          %dma_wait3A_515 = tpu.memref_squeeze %dma_wait3A_514 : memref<1x128x64xf32, #tpu.memory_space<vmem>> -> memref<128x64xf32, #tpu.memory_space<vmem>>
          %dma_wait3A_516 = arith.constant 0 : i32
          %dma_wait3A_517 = tpu.memref_slice %arg4[%add3A_509, %dma_wait3A_516] : memref<819200x64xf32, #tpu.memory_space<hbm>> -> memref<128x64xf32, #tpu.memory_space<hbm>>
          %dma_wait3A_518 = tpu.memref_slice %arg8[%dma_wait3A_511] : memref<8x!tpu.dma_semaphore, #tpu.memory_space<semaphore_mem>> -> memref<1x!tpu.dma_semaphore, #tpu.memory_space<semaphore_mem>>
          %dma_wait3A_519 = tpu.memref_squeeze %dma_wait3A_518 : memref<1x!tpu.dma_semaphore, #tpu.memory_space<semaphore_mem>> -> memref<!tpu.dma_semaphore, #tpu.memory_space<semaphore_mem>>
          %dma_wait3A_520 = arith.constant 0 : i32
          %dma_wait3A_521 = tpu.memref_slice %arg4[%add3A_509, %dma_wait3A_520] : memref<819200x64xf32, #tpu.memory_space<hbm>> -> memref<128x64xf32, #tpu.memory_space<hbm>>
          %dma_wait3A_522 = arith.constant 0 : i32
          %dma_wait3A_523 = arith.constant 0 : i32
          %dma_wait3A_524 = tpu.memref_slice %arg6[%dma_wait3A_510, %dma_wait3A_522, %dma_wait3A_523] : memref<8x128x64xf32, #tpu.memory_space<vmem>> -> memref<1x128x64xf32, #tpu.memory_space<vmem>>
          %dma_wait3A_525 = tpu.memref_squeeze %dma_wait3A_524 : memref<1x128x64xf32, #tpu.memory_space<vmem>> -> memref<128x64xf32, #tpu.memory_space<vmem>>
          tpu.wait_dma2 semaphore(%dma_wait3A_519 : memref<!tpu.dma_semaphore, #tpu.memory_space<semaphore_mem>>) src(%dma_wait3A_525 : memref<128x64xf32, #tpu.memory_space<vmem>>) dst(%dma_wait3A_521 : memref<128x64xf32, #tpu.memory_space<hbm>>)
        } else {
        }
        %dma_start3A_492 = arith.constant 1 : i32
        %dma_start3A_493 = arith.constant 1 : i32
        %dma_start3A_494 = arith.constant 0 : i32
        %dma_start3A_495 = arith.constant 0 : i32
        %dma_start3A_496 = tpu.memref_slice %arg6[%dma_start3A_492, %dma_start3A_494, %dma_start3A_495] : memref<8x128x64xf32, #tpu.memory_space<vmem>> -> memref<1x128x64xf32, #tpu.memory_space<vmem>>
        %dma_start3A_497 = tpu.memref_squeeze %dma_start3A_496 : memref<1x128x64xf32, #tpu.memory_space<vmem>> -> memref<128x64xf32, #tpu.memory_space<vmem>>
        %dma_start3A_498 = arith.constant 0 : i32
        %dma_start3A_499 = tpu.memref_slice %arg5[%add3A_394, %dma_start3A_498] : memref<200x128xi32, #tpu.memory_space<vmem>> -> memref<1x128xi32, #tpu.memory_space<vmem>>
        %dma_start3A_500 = tpu.memref_squeeze %dma_start3A_499 : memref<1x128xi32, #tpu.memory_space<vmem>> -> memref<128xi32, #tpu.memory_space<vmem>>
        %dma_start3A_501 = arith.constant 0 : i32
        %dma_start3A_502 = arith.constant 0 : i32
        %dma_start3A_503 = tpu.memref_slice %arg2[%dma_start3A_501, %dma_start3A_502] : memref<100000x64xf32, #tpu.memory_space<hbm>> -> memref<100000x64xf32, #tpu.memory_space<hbm>>
        %dma_start3A_504 = tpu.memref_slice %arg7[%dma_start3A_493] : memref<8x!tpu.dma_semaphore, #tpu.memory_space<semaphore_mem>> -> memref<1x!tpu.dma_semaphore, #tpu.memory_space<semaphore_mem>>
        %dma_start3A_505 = tpu.memref_squeeze %dma_start3A_504 : memref<1x!tpu.dma_semaphore, #tpu.memory_space<semaphore_mem>> -> memref<!tpu.dma_semaphore, #tpu.memory_space<semaphore_mem>>
        tpu.enqueue_indirect_dma source(%dma_start3A_503 : memref<100000x64xf32, #tpu.memory_space<hbm>>) target(%dma_start3A_497 : memref<128x64xf32, #tpu.memory_space<vmem>>) offsets(%dma_start3A_500 : memref<128xi32, #tpu.memory_space<vmem>>) semaphore(%dma_start3A_505 : memref<!tpu.dma_semaphore, #tpu.memory_space<semaphore_mem>>)
      } else {
      }
      %mul3A_400 = arith.constant 8 : i32
      %mul3A_401 = arith.muli %scan3A_138, %mul3A_400 : i32
      %add3A_402 = arith.constant 6 : i32
      %add3A_403 = arith.addi %mul3A_401, %add3A_402 : i32
      %dma_wait3A_404 = arith.constant 6 : i32
      %dma_wait3A_405 = arith.constant 6 : i32
      %dma_wait3A_406 = arith.constant 0 : i32
      %dma_wait3A_407 = arith.constant 0 : i32
      %dma_wait3A_408 = tpu.memref_slice %arg6[%dma_wait3A_404, %dma_wait3A_406, %dma_wait3A_407] : memref<8x128x64xf32, #tpu.memory_space<vmem>> -> memref<1x128x64xf32, #tpu.memory_space<vmem>>
      %dma_wait3A_409 = tpu.memref_squeeze %dma_wait3A_408 : memref<1x128x64xf32, #tpu.memory_space<vmem>> -> memref<128x64xf32, #tpu.memory_space<vmem>>
      %dma_wait3A_410 = arith.constant 0 : i32
      %dma_wait3A_411 = tpu.memref_slice %arg5[%add3A_403, %dma_wait3A_410] : memref<200x128xi32, #tpu.memory_space<vmem>> -> memref<1x128xi32, #tpu.memory_space<vmem>>
      %dma_wait3A_412 = tpu.memref_squeeze %dma_wait3A_411 : memref<1x128xi32, #tpu.memory_space<vmem>> -> memref<128xi32, #tpu.memory_space<vmem>>
      %dma_wait3A_413 = arith.constant 0 : i32
      %dma_wait3A_414 = arith.constant 0 : i32
      %dma_wait3A_415 = tpu.memref_slice %arg2[%dma_wait3A_413, %dma_wait3A_414] : memref<100000x64xf32, #tpu.memory_space<hbm>> -> memref<100000x64xf32, #tpu.memory_space<hbm>>
      %dma_wait3A_416 = tpu.memref_slice %arg7[%dma_wait3A_405] : memref<8x!tpu.dma_semaphore, #tpu.memory_space<semaphore_mem>> -> memref<1x!tpu.dma_semaphore, #tpu.memory_space<semaphore_mem>>
      %dma_wait3A_417 = tpu.memref_squeeze %dma_wait3A_416 : memref<1x!tpu.dma_semaphore, #tpu.memory_space<semaphore_mem>> -> memref<!tpu.dma_semaphore, #tpu.memory_space<semaphore_mem>>
      tpu.wait_indirect_dma semaphore(%dma_wait3A_417 : memref<!tpu.dma_semaphore, #tpu.memory_space<semaphore_mem>>) src(%dma_wait3A_415 : memref<100000x64xf32, #tpu.memory_space<hbm>>) dst(%dma_wait3A_409 : memref<128x64xf32, #tpu.memory_space<vmem>>)
      %mul3A_418 = arith.constant 128 : i32
      %mul3A_419 = arith.muli %add3A_403, %mul3A_418 : i32
      %add3A_420 = arith.addi %mul3A_2, %mul3A_419 : i32
      %dma_start3A_421 = arith.constant 6 : i32
      %dma_start3A_422 = arith.constant 6 : i32
      %dma_start3A_423 = arith.constant 0 : i32
      %dma_start3A_424 = arith.constant 0 : i32
      %dma_start3A_425 = tpu.memref_slice %arg6[%dma_start3A_421, %dma_start3A_423, %dma_start3A_424] : memref<8x128x64xf32, #tpu.memory_space<vmem>> -> memref<1x128x64xf32, #tpu.memory_space<vmem>>
      %dma_start3A_426 = tpu.memref_squeeze %dma_start3A_425 : memref<1x128x64xf32, #tpu.memory_space<vmem>> -> memref<128x64xf32, #tpu.memory_space<vmem>>
      %dma_start3A_427 = arith.constant 0 : i32
      %dma_start3A_428 = tpu.memref_slice %arg4[%add3A_420, %dma_start3A_427] : memref<819200x64xf32, #tpu.memory_space<hbm>> -> memref<128x64xf32, #tpu.memory_space<hbm>>
      %dma_start3A_429 = tpu.memref_slice %arg8[%dma_start3A_422] : memref<8x!tpu.dma_semaphore, #tpu.memory_space<semaphore_mem>> -> memref<1x!tpu.dma_semaphore, #tpu.memory_space<semaphore_mem>>
      %dma_start3A_430 = tpu.memref_squeeze %dma_start3A_429 : memref<1x!tpu.dma_semaphore, #tpu.memory_space<semaphore_mem>> -> memref<!tpu.dma_semaphore, #tpu.memory_space<semaphore_mem>>
      %dma_start3A_431 = arith.constant 0 : i32
      %dma_start3A_432 = tpu.memref_slice %arg4[%add3A_420, %dma_start3A_431] : memref<819200x64xf32, #tpu.memory_space<hbm>> -> memref<128x64xf32, #tpu.memory_space<hbm>>
      %dma_start3A_433 = arith.constant 0 : i32
      %dma_start3A_434 = arith.constant 0 : i32
      %dma_start3A_435 = tpu.memref_slice %arg6[%dma_start3A_421, %dma_start3A_433, %dma_start3A_434] : memref<8x128x64xf32, #tpu.memory_space<vmem>> -> memref<1x128x64xf32, #tpu.memory_space<vmem>>
      %dma_start3A_436 = tpu.memref_squeeze %dma_start3A_435 : memref<1x128x64xf32, #tpu.memory_space<vmem>> -> memref<128x64xf32, #tpu.memory_space<vmem>>
      tpu.enqueue_dma source(%dma_start3A_436 : memref<128x64xf32, #tpu.memory_space<vmem>>) target(%dma_start3A_432 : memref<128x64xf32, #tpu.memory_space<hbm>>) target_semaphore(%dma_start3A_430 : memref<!tpu.dma_semaphore, #tpu.memory_space<semaphore_mem>>)
      %add3A_437 = arith.constant 4 : i32
      %add3A_438 = arith.addi %add3A_403, %add3A_437 : i32
      %lt3A_439 = arith.constant 200 : i32
      %lt3A_440 = arith.cmpi slt, %add3A_438, %lt3A_439 : i32
      %convert_element_type3A_441 = arith.extui %lt3A_440 : i1 to i32
      %cond3A_442 = arith.constant 0 : i32
      %cond3A_443 = arith.cmpi ne, %convert_element_type3A_441, %cond3A_442 : i32
      scf.if %cond3A_443 {
        %ge3A = arith.constant 8 : i32
        %ge3A_488 = arith.cmpi sge, %add3A_438, %ge3A : i32
        %convert_element_type3A_489 = arith.extui %ge3A_488 : i1 to i32
        %cond3A_490 = arith.constant 0 : i32
        %cond3A_491 = arith.cmpi ne, %convert_element_type3A_489, %cond3A_490 : i32
        scf.if %cond3A_491 {
          %sub3A = arith.constant 8 : i32
          %sub3A_506 = arith.subi %add3A_438, %sub3A : i32
          %mul3A_507 = arith.constant 128 : i32
          %mul3A_508 = arith.muli %sub3A_506, %mul3A_507 : i32
          %add3A_509 = arith.addi %mul3A_2, %mul3A_508 : i32
          %dma_wait3A_510 = arith.constant 2 : i32
          %dma_wait3A_511 = arith.constant 2 : i32
          %dma_wait3A_512 = arith.constant 0 : i32
          %dma_wait3A_513 = arith.constant 0 : i32
          %dma_wait3A_514 = tpu.memref_slice %arg6[%dma_wait3A_510, %dma_wait3A_512, %dma_wait3A_513] : memref<8x128x64xf32, #tpu.memory_space<vmem>> -> memref<1x128x64xf32, #tpu.memory_space<vmem>>
          %dma_wait3A_515 = tpu.memref_squeeze %dma_wait3A_514 : memref<1x128x64xf32, #tpu.memory_space<vmem>> -> memref<128x64xf32, #tpu.memory_space<vmem>>
          %dma_wait3A_516 = arith.constant 0 : i32
          %dma_wait3A_517 = tpu.memref_slice %arg4[%add3A_509, %dma_wait3A_516] : memref<819200x64xf32, #tpu.memory_space<hbm>> -> memref<128x64xf32, #tpu.memory_space<hbm>>
          %dma_wait3A_518 = tpu.memref_slice %arg8[%dma_wait3A_511] : memref<8x!tpu.dma_semaphore, #tpu.memory_space<semaphore_mem>> -> memref<1x!tpu.dma_semaphore, #tpu.memory_space<semaphore_mem>>
          %dma_wait3A_519 = tpu.memref_squeeze %dma_wait3A_518 : memref<1x!tpu.dma_semaphore, #tpu.memory_space<semaphore_mem>> -> memref<!tpu.dma_semaphore, #tpu.memory_space<semaphore_mem>>
          %dma_wait3A_520 = arith.constant 0 : i32
          %dma_wait3A_521 = tpu.memref_slice %arg4[%add3A_509, %dma_wait3A_520] : memref<819200x64xf32, #tpu.memory_space<hbm>> -> memref<128x64xf32, #tpu.memory_space<hbm>>
          %dma_wait3A_522 = arith.constant 0 : i32
          %dma_wait3A_523 = arith.constant 0 : i32
          %dma_wait3A_524 = tpu.memref_slice %arg6[%dma_wait3A_510, %dma_wait3A_522, %dma_wait3A_523] : memref<8x128x64xf32, #tpu.memory_space<vmem>> -> memref<1x128x64xf32, #tpu.memory_space<vmem>>
          %dma_wait3A_525 = tpu.memref_squeeze %dma_wait3A_524 : memref<1x128x64xf32, #tpu.memory_space<vmem>> -> memref<128x64xf32, #tpu.memory_space<vmem>>
          tpu.wait_dma2 semaphore(%dma_wait3A_519 : memref<!tpu.dma_semaphore, #tpu.memory_space<semaphore_mem>>) src(%dma_wait3A_525 : memref<128x64xf32, #tpu.memory_space<vmem>>) dst(%dma_wait3A_521 : memref<128x64xf32, #tpu.memory_space<hbm>>)
        } else {
        }
        %dma_start3A_492 = arith.constant 2 : i32
        %dma_start3A_493 = arith.constant 2 : i32
        %dma_start3A_494 = arith.constant 0 : i32
        %dma_start3A_495 = arith.constant 0 : i32
        %dma_start3A_496 = tpu.memref_slice %arg6[%dma_start3A_492, %dma_start3A_494, %dma_start3A_495] : memref<8x128x64xf32, #tpu.memory_space<vmem>> -> memref<1x128x64xf32, #tpu.memory_space<vmem>>
        %dma_start3A_497 = tpu.memref_squeeze %dma_start3A_496 : memref<1x128x64xf32, #tpu.memory_space<vmem>> -> memref<128x64xf32, #tpu.memory_space<vmem>>
        %dma_start3A_498 = arith.constant 0 : i32
        %dma_start3A_499 = tpu.memref_slice %arg5[%add3A_438, %dma_start3A_498] : memref<200x128xi32, #tpu.memory_space<vmem>> -> memref<1x128xi32, #tpu.memory_space<vmem>>
        %dma_start3A_500 = tpu.memref_squeeze %dma_start3A_499 : memref<1x128xi32, #tpu.memory_space<vmem>> -> memref<128xi32, #tpu.memory_space<vmem>>
        %dma_start3A_501 = arith.constant 0 : i32
        %dma_start3A_502 = arith.constant 0 : i32
        %dma_start3A_503 = tpu.memref_slice %arg2[%dma_start3A_501, %dma_start3A_502] : memref<100000x64xf32, #tpu.memory_space<hbm>> -> memref<100000x64xf32, #tpu.memory_space<hbm>>
        %dma_start3A_504 = tpu.memref_slice %arg7[%dma_start3A_493] : memref<8x!tpu.dma_semaphore, #tpu.memory_space<semaphore_mem>> -> memref<1x!tpu.dma_semaphore, #tpu.memory_space<semaphore_mem>>
        %dma_start3A_505 = tpu.memref_squeeze %dma_start3A_504 : memref<1x!tpu.dma_semaphore, #tpu.memory_space<semaphore_mem>> -> memref<!tpu.dma_semaphore, #tpu.memory_space<semaphore_mem>>
        tpu.enqueue_indirect_dma source(%dma_start3A_503 : memref<100000x64xf32, #tpu.memory_space<hbm>>) target(%dma_start3A_497 : memref<128x64xf32, #tpu.memory_space<vmem>>) offsets(%dma_start3A_500 : memref<128xi32, #tpu.memory_space<vmem>>) semaphore(%dma_start3A_505 : memref<!tpu.dma_semaphore, #tpu.memory_space<semaphore_mem>>)
      } else {
      }
      %mul3A_444 = arith.constant 8 : i32
      %mul3A_445 = arith.muli %scan3A_138, %mul3A_444 : i32
      %add3A_446 = arith.constant 7 : i32
      %add3A_447 = arith.addi %mul3A_445, %add3A_446 : i32
      %dma_wait3A_448 = arith.constant 7 : i32
      %dma_wait3A_449 = arith.constant 7 : i32
      %dma_wait3A_450 = arith.constant 0 : i32
      %dma_wait3A_451 = arith.constant 0 : i32
      %dma_wait3A_452 = tpu.memref_slice %arg6[%dma_wait3A_448, %dma_wait3A_450, %dma_wait3A_451] : memref<8x128x64xf32, #tpu.memory_space<vmem>> -> memref<1x128x64xf32, #tpu.memory_space<vmem>>
      %dma_wait3A_453 = tpu.memref_squeeze %dma_wait3A_452 : memref<1x128x64xf32, #tpu.memory_space<vmem>> -> memref<128x64xf32, #tpu.memory_space<vmem>>
      %dma_wait3A_454 = arith.constant 0 : i32
      %dma_wait3A_455 = tpu.memref_slice %arg5[%add3A_447, %dma_wait3A_454] : memref<200x128xi32, #tpu.memory_space<vmem>> -> memref<1x128xi32, #tpu.memory_space<vmem>>
      %dma_wait3A_456 = tpu.memref_squeeze %dma_wait3A_455 : memref<1x128xi32, #tpu.memory_space<vmem>> -> memref<128xi32, #tpu.memory_space<vmem>>
      %dma_wait3A_457 = arith.constant 0 : i32
      %dma_wait3A_458 = arith.constant 0 : i32
      %dma_wait3A_459 = tpu.memref_slice %arg2[%dma_wait3A_457, %dma_wait3A_458] : memref<100000x64xf32, #tpu.memory_space<hbm>> -> memref<100000x64xf32, #tpu.memory_space<hbm>>
      %dma_wait3A_460 = tpu.memref_slice %arg7[%dma_wait3A_449] : memref<8x!tpu.dma_semaphore, #tpu.memory_space<semaphore_mem>> -> memref<1x!tpu.dma_semaphore, #tpu.memory_space<semaphore_mem>>
      %dma_wait3A_461 = tpu.memref_squeeze %dma_wait3A_460 : memref<1x!tpu.dma_semaphore, #tpu.memory_space<semaphore_mem>> -> memref<!tpu.dma_semaphore, #tpu.memory_space<semaphore_mem>>
      tpu.wait_indirect_dma semaphore(%dma_wait3A_461 : memref<!tpu.dma_semaphore, #tpu.memory_space<semaphore_mem>>) src(%dma_wait3A_459 : memref<100000x64xf32, #tpu.memory_space<hbm>>) dst(%dma_wait3A_453 : memref<128x64xf32, #tpu.memory_space<vmem>>)
      %mul3A_462 = arith.constant 128 : i32
      %mul3A_463 = arith.muli %add3A_447, %mul3A_462 : i32
      %add3A_464 = arith.addi %mul3A_2, %mul3A_463 : i32
      %dma_start3A_465 = arith.constant 7 : i32
      %dma_start3A_466 = arith.constant 7 : i32
      %dma_start3A_467 = arith.constant 0 : i32
      %dma_start3A_468 = arith.constant 0 : i32
      %dma_start3A_469 = tpu.memref_slice %arg6[%dma_start3A_465, %dma_start3A_467, %dma_start3A_468] : memref<8x128x64xf32, #tpu.memory_space<vmem>> -> memref<1x128x64xf32, #tpu.memory_space<vmem>>
      %dma_start3A_470 = tpu.memref_squeeze %dma_start3A_469 : memref<1x128x64xf32, #tpu.memory_space<vmem>> -> memref<128x64xf32, #tpu.memory_space<vmem>>
      %dma_start3A_471 = arith.constant 0 : i32
      %dma_start3A_472 = tpu.memref_slice %arg4[%add3A_464, %dma_start3A_471] : memref<819200x64xf32, #tpu.memory_space<hbm>> -> memref<128x64xf32, #tpu.memory_space<hbm>>
      %dma_start3A_473 = tpu.memref_slice %arg8[%dma_start3A_466] : memref<8x!tpu.dma_semaphore, #tpu.memory_space<semaphore_mem>> -> memref<1x!tpu.dma_semaphore, #tpu.memory_space<semaphore_mem>>
      %dma_start3A_474 = tpu.memref_squeeze %dma_start3A_473 : memref<1x!tpu.dma_semaphore, #tpu.memory_space<semaphore_mem>> -> memref<!tpu.dma_semaphore, #tpu.memory_space<semaphore_mem>>
      %dma_start3A_475 = arith.constant 0 : i32
      %dma_start3A_476 = tpu.memref_slice %arg4[%add3A_464, %dma_start3A_475] : memref<819200x64xf32, #tpu.memory_space<hbm>> -> memref<128x64xf32, #tpu.memory_space<hbm>>
      %dma_start3A_477 = arith.constant 0 : i32
      %dma_start3A_478 = arith.constant 0 : i32
      %dma_start3A_479 = tpu.memref_slice %arg6[%dma_start3A_465, %dma_start3A_477, %dma_start3A_478] : memref<8x128x64xf32, #tpu.memory_space<vmem>> -> memref<1x128x64xf32, #tpu.memory_space<vmem>>
      %dma_start3A_480 = tpu.memref_squeeze %dma_start3A_479 : memref<1x128x64xf32, #tpu.memory_space<vmem>> -> memref<128x64xf32, #tpu.memory_space<vmem>>
      tpu.enqueue_dma source(%dma_start3A_480 : memref<128x64xf32, #tpu.memory_space<vmem>>) target(%dma_start3A_476 : memref<128x64xf32, #tpu.memory_space<hbm>>) target_semaphore(%dma_start3A_474 : memref<!tpu.dma_semaphore, #tpu.memory_space<semaphore_mem>>)
      %add3A_481 = arith.constant 4 : i32
      %add3A_482 = arith.addi %add3A_447, %add3A_481 : i32
      %lt3A_483 = arith.constant 200 : i32
      %lt3A_484 = arith.cmpi slt, %add3A_482, %lt3A_483 : i32
      %convert_element_type3A_485 = arith.extui %lt3A_484 : i1 to i32
      %cond3A_486 = arith.constant 0 : i32
      %cond3A_487 = arith.cmpi ne, %convert_element_type3A_485, %cond3A_486 : i32
      scf.if %cond3A_487 {
        %ge3A = arith.constant 8 : i32
        %ge3A_488 = arith.cmpi sge, %add3A_482, %ge3A : i32
        %convert_element_type3A_489 = arith.extui %ge3A_488 : i1 to i32
        %cond3A_490 = arith.constant 0 : i32
        %cond3A_491 = arith.cmpi ne, %convert_element_type3A_489, %cond3A_490 : i32
        scf.if %cond3A_491 {
          %sub3A = arith.constant 8 : i32
          %sub3A_506 = arith.subi %add3A_482, %sub3A : i32
          %mul3A_507 = arith.constant 128 : i32
          %mul3A_508 = arith.muli %sub3A_506, %mul3A_507 : i32
          %add3A_509 = arith.addi %mul3A_2, %mul3A_508 : i32
          %dma_wait3A_510 = arith.constant 3 : i32
          %dma_wait3A_511 = arith.constant 3 : i32
          %dma_wait3A_512 = arith.constant 0 : i32
          %dma_wait3A_513 = arith.constant 0 : i32
          %dma_wait3A_514 = tpu.memref_slice %arg6[%dma_wait3A_510, %dma_wait3A_512, %dma_wait3A_513] : memref<8x128x64xf32, #tpu.memory_space<vmem>> -> memref<1x128x64xf32, #tpu.memory_space<vmem>>
          %dma_wait3A_515 = tpu.memref_squeeze %dma_wait3A_514 : memref<1x128x64xf32, #tpu.memory_space<vmem>> -> memref<128x64xf32, #tpu.memory_space<vmem>>
          %dma_wait3A_516 = arith.constant 0 : i32
          %dma_wait3A_517 = tpu.memref_slice %arg4[%add3A_509, %dma_wait3A_516] : memref<819200x64xf32, #tpu.memory_space<hbm>> -> memref<128x64xf32, #tpu.memory_space<hbm>>
          %dma_wait3A_518 = tpu.memref_slice %arg8[%dma_wait3A_511] : memref<8x!tpu.dma_semaphore, #tpu.memory_space<semaphore_mem>> -> memref<1x!tpu.dma_semaphore, #tpu.memory_space<semaphore_mem>>
          %dma_wait3A_519 = tpu.memref_squeeze %dma_wait3A_518 : memref<1x!tpu.dma_semaphore, #tpu.memory_space<semaphore_mem>> -> memref<!tpu.dma_semaphore, #tpu.memory_space<semaphore_mem>>
          %dma_wait3A_520 = arith.constant 0 : i32
          %dma_wait3A_521 = tpu.memref_slice %arg4[%add3A_509, %dma_wait3A_520] : memref<819200x64xf32, #tpu.memory_space<hbm>> -> memref<128x64xf32, #tpu.memory_space<hbm>>
          %dma_wait3A_522 = arith.constant 0 : i32
          %dma_wait3A_523 = arith.constant 0 : i32
          %dma_wait3A_524 = tpu.memref_slice %arg6[%dma_wait3A_510, %dma_wait3A_522, %dma_wait3A_523] : memref<8x128x64xf32, #tpu.memory_space<vmem>> -> memref<1x128x64xf32, #tpu.memory_space<vmem>>
          %dma_wait3A_525 = tpu.memref_squeeze %dma_wait3A_524 : memref<1x128x64xf32, #tpu.memory_space<vmem>> -> memref<128x64xf32, #tpu.memory_space<vmem>>
          tpu.wait_dma2 semaphore(%dma_wait3A_519 : memref<!tpu.dma_semaphore, #tpu.memory_space<semaphore_mem>>) src(%dma_wait3A_525 : memref<128x64xf32, #tpu.memory_space<vmem>>) dst(%dma_wait3A_521 : memref<128x64xf32, #tpu.memory_space<hbm>>)
        } else {
        }
        %dma_start3A_492 = arith.constant 3 : i32
        %dma_start3A_493 = arith.constant 3 : i32
        %dma_start3A_494 = arith.constant 0 : i32
        %dma_start3A_495 = arith.constant 0 : i32
        %dma_start3A_496 = tpu.memref_slice %arg6[%dma_start3A_492, %dma_start3A_494, %dma_start3A_495] : memref<8x128x64xf32, #tpu.memory_space<vmem>> -> memref<1x128x64xf32, #tpu.memory_space<vmem>>
        %dma_start3A_497 = tpu.memref_squeeze %dma_start3A_496 : memref<1x128x64xf32, #tpu.memory_space<vmem>> -> memref<128x64xf32, #tpu.memory_space<vmem>>
        %dma_start3A_498 = arith.constant 0 : i32
        %dma_start3A_499 = tpu.memref_slice %arg5[%add3A_482, %dma_start3A_498] : memref<200x128xi32, #tpu.memory_space<vmem>> -> memref<1x128xi32, #tpu.memory_space<vmem>>
        %dma_start3A_500 = tpu.memref_squeeze %dma_start3A_499 : memref<1x128xi32, #tpu.memory_space<vmem>> -> memref<128xi32, #tpu.memory_space<vmem>>
        %dma_start3A_501 = arith.constant 0 : i32
        %dma_start3A_502 = arith.constant 0 : i32
        %dma_start3A_503 = tpu.memref_slice %arg2[%dma_start3A_501, %dma_start3A_502] : memref<100000x64xf32, #tpu.memory_space<hbm>> -> memref<100000x64xf32, #tpu.memory_space<hbm>>
        %dma_start3A_504 = tpu.memref_slice %arg7[%dma_start3A_493] : memref<8x!tpu.dma_semaphore, #tpu.memory_space<semaphore_mem>> -> memref<1x!tpu.dma_semaphore, #tpu.memory_space<semaphore_mem>>
        %dma_start3A_505 = tpu.memref_squeeze %dma_start3A_504 : memref<1x!tpu.dma_semaphore, #tpu.memory_space<semaphore_mem>> -> memref<!tpu.dma_semaphore, #tpu.memory_space<semaphore_mem>>
        tpu.enqueue_indirect_dma source(%dma_start3A_503 : memref<100000x64xf32, #tpu.memory_space<hbm>>) target(%dma_start3A_497 : memref<128x64xf32, #tpu.memory_space<vmem>>) offsets(%dma_start3A_500 : memref<128xi32, #tpu.memory_space<vmem>>) semaphore(%dma_start3A_505 : memref<!tpu.dma_semaphore, #tpu.memory_space<semaphore_mem>>)
      } else {
      }
    }
    %scan3A_66 = arith.constant 25 : i32
    %add3A_67 = arith.constant 25088 : i32
    %add3A_68 = arith.addi %mul3A_2, %add3A_67 : i32
    %dma_wait3A = arith.constant 4 : i32
    %dma_wait3A_69 = arith.constant 4 : i32
    %dma_wait3A_70 = arith.constant 0 : i32
    %dma_wait3A_71 = arith.constant 0 : i32
    %dma_wait3A_72 = tpu.memref_slice %arg6[%dma_wait3A, %dma_wait3A_70, %dma_wait3A_71] : memref<8x128x64xf32, #tpu.memory_space<vmem>> -> memref<1x128x64xf32, #tpu.memory_space<vmem>>
    %dma_wait3A_73 = tpu.memref_squeeze %dma_wait3A_72 : memref<1x128x64xf32, #tpu.memory_space<vmem>> -> memref<128x64xf32, #tpu.memory_space<vmem>>
    %dma_wait3A_74 = arith.constant 0 : i32
    %dma_wait3A_75 = tpu.memref_slice %arg4[%add3A_68, %dma_wait3A_74] : memref<819200x64xf32, #tpu.memory_space<hbm>> -> memref<128x64xf32, #tpu.memory_space<hbm>>
    %dma_wait3A_76 = tpu.memref_slice %arg8[%dma_wait3A_69] : memref<8x!tpu.dma_semaphore, #tpu.memory_space<semaphore_mem>> -> memref<1x!tpu.dma_semaphore, #tpu.memory_space<semaphore_mem>>
    %dma_wait3A_77 = tpu.memref_squeeze %dma_wait3A_76 : memref<1x!tpu.dma_semaphore, #tpu.memory_space<semaphore_mem>> -> memref<!tpu.dma_semaphore, #tpu.memory_space<semaphore_mem>>
    %dma_wait3A_78 = arith.constant 0 : i32
    %dma_wait3A_79 = tpu.memref_slice %arg4[%add3A_68, %dma_wait3A_78] : memref<819200x64xf32, #tpu.memory_space<hbm>> -> memref<128x64xf32, #tpu.memory_space<hbm>>
    %dma_wait3A_80 = arith.constant 0 : i32
    %dma_wait3A_81 = arith.constant 0 : i32
    %dma_wait3A_82 = tpu.memref_slice %arg6[%dma_wait3A, %dma_wait3A_80, %dma_wait3A_81] : memref<8x128x64xf32, #tpu.memory_space<vmem>> -> memref<1x128x64xf32, #tpu.memory_space<vmem>>
    %dma_wait3A_83 = tpu.memref_squeeze %dma_wait3A_82 : memref<1x128x64xf32, #tpu.memory_space<vmem>> -> memref<128x64xf32, #tpu.memory_space<vmem>>
    tpu.wait_dma2 semaphore(%dma_wait3A_77 : memref<!tpu.dma_semaphore, #tpu.memory_space<semaphore_mem>>) src(%dma_wait3A_83 : memref<128x64xf32, #tpu.memory_space<vmem>>) dst(%dma_wait3A_79 : memref<128x64xf32, #tpu.memory_space<hbm>>)
    %add3A_84 = arith.constant 25216 : i32
    %add3A_85 = arith.addi %mul3A_2, %add3A_84 : i32
    %dma_wait3A_86 = arith.constant 5 : i32
    %dma_wait3A_87 = arith.constant 5 : i32
    %dma_wait3A_88 = arith.constant 0 : i32
    %dma_wait3A_89 = arith.constant 0 : i32
    %dma_wait3A_90 = tpu.memref_slice %arg6[%dma_wait3A_86, %dma_wait3A_88, %dma_wait3A_89] : memref<8x128x64xf32, #tpu.memory_space<vmem>> -> memref<1x128x64xf32, #tpu.memory_space<vmem>>
    %dma_wait3A_91 = tpu.memref_squeeze %dma_wait3A_90 : memref<1x128x64xf32, #tpu.memory_space<vmem>> -> memref<128x64xf32, #tpu.memory_space<vmem>>
    %dma_wait3A_92 = arith.constant 0 : i32
    %dma_wait3A_93 = tpu.memref_slice %arg4[%add3A_85, %dma_wait3A_92] : memref<819200x64xf32, #tpu.memory_space<hbm>> -> memref<128x64xf32, #tpu.memory_space<hbm>>
    %dma_wait3A_94 = tpu.memref_slice %arg8[%dma_wait3A_87] : memref<8x!tpu.dma_semaphore, #tpu.memory_space<semaphore_mem>> -> memref<1x!tpu.dma_semaphore, #tpu.memory_space<semaphore_mem>>
    %dma_wait3A_95 = tpu.memref_squeeze %dma_wait3A_94 : memref<1x!tpu.dma_semaphore, #tpu.memory_space<semaphore_mem>> -> memref<!tpu.dma_semaphore, #tpu.memory_space<semaphore_mem>>
    %dma_wait3A_96 = arith.constant 0 : i32
    %dma_wait3A_97 = tpu.memref_slice %arg4[%add3A_85, %dma_wait3A_96] : memref<819200x64xf32, #tpu.memory_space<hbm>> -> memref<128x64xf32, #tpu.memory_space<hbm>>
    %dma_wait3A_98 = arith.constant 0 : i32
    %dma_wait3A_99 = arith.constant 0 : i32
    %dma_wait3A_100 = tpu.memref_slice %arg6[%dma_wait3A_86, %dma_wait3A_98, %dma_wait3A_99] : memref<8x128x64xf32, #tpu.memory_space<vmem>> -> memref<1x128x64xf32, #tpu.memory_space<vmem>>
    %dma_wait3A_101 = tpu.memref_squeeze %dma_wait3A_100 : memref<1x128x64xf32, #tpu.memory_space<vmem>> -> memref<128x64xf32, #tpu.memory_space<vmem>>
    tpu.wait_dma2 semaphore(%dma_wait3A_95 : memref<!tpu.dma_semaphore, #tpu.memory_space<semaphore_mem>>) src(%dma_wait3A_101 : memref<128x64xf32, #tpu.memory_space<vmem>>) dst(%dma_wait3A_97 : memref<128x64xf32, #tpu.memory_space<hbm>>)
    %add3A_102 = arith.constant 25344 : i32
    %add3A_103 = arith.addi %mul3A_2, %add3A_102 : i32
    %dma_wait3A_104 = arith.constant 6 : i32
    %dma_wait3A_105 = arith.constant 6 : i32
    %dma_wait3A_106 = arith.constant 0 : i32
    %dma_wait3A_107 = arith.constant 0 : i32
    %dma_wait3A_108 = tpu.memref_slice %arg6[%dma_wait3A_104, %dma_wait3A_106, %dma_wait3A_107] : memref<8x128x64xf32, #tpu.memory_space<vmem>> -> memref<1x128x64xf32, #tpu.memory_space<vmem>>
    %dma_wait3A_109 = tpu.memref_squeeze %dma_wait3A_108 : memref<1x128x64xf32, #tpu.memory_space<vmem>> -> memref<128x64xf32, #tpu.memory_space<vmem>>
    %dma_wait3A_110 = arith.constant 0 : i32
    %dma_wait3A_111 = tpu.memref_slice %arg4[%add3A_103, %dma_wait3A_110] : memref<819200x64xf32, #tpu.memory_space<hbm>> -> memref<128x64xf32, #tpu.memory_space<hbm>>
    %dma_wait3A_112 = tpu.memref_slice %arg8[%dma_wait3A_105] : memref<8x!tpu.dma_semaphore, #tpu.memory_space<semaphore_mem>> -> memref<1x!tpu.dma_semaphore, #tpu.memory_space<semaphore_mem>>
    %dma_wait3A_113 = tpu.memref_squeeze %dma_wait3A_112 : memref<1x!tpu.dma_semaphore, #tpu.memory_space<semaphore_mem>> -> memref<!tpu.dma_semaphore, #tpu.memory_space<semaphore_mem>>
    %dma_wait3A_114 = arith.constant 0 : i32
    %dma_wait3A_115 = tpu.memref_slice %arg4[%add3A_103, %dma_wait3A_114] : memref<819200x64xf32, #tpu.memory_space<hbm>> -> memref<128x64xf32, #tpu.memory_space<hbm>>
    %dma_wait3A_116 = arith.constant 0 : i32
    %dma_wait3A_117 = arith.constant 0 : i32
    %dma_wait3A_118 = tpu.memref_slice %arg6[%dma_wait3A_104, %dma_wait3A_116, %dma_wait3A_117] : memref<8x128x64xf32, #tpu.memory_space<vmem>> -> memref<1x128x64xf32, #tpu.memory_space<vmem>>
    %dma_wait3A_119 = tpu.memref_squeeze %dma_wait3A_118 : memref<1x128x64xf32, #tpu.memory_space<vmem>> -> memref<128x64xf32, #tpu.memory_space<vmem>>
    tpu.wait_dma2 semaphore(%dma_wait3A_113 : memref<!tpu.dma_semaphore, #tpu.memory_space<semaphore_mem>>) src(%dma_wait3A_119 : memref<128x64xf32, #tpu.memory_space<vmem>>) dst(%dma_wait3A_115 : memref<128x64xf32, #tpu.memory_space<hbm>>)
    %add3A_120 = arith.constant 25472 : i32
    %add3A_121 = arith.addi %mul3A_2, %add3A_120 : i32
    %dma_wait3A_122 = arith.constant 7 : i32
    %dma_wait3A_123 = arith.constant 7 : i32
    %dma_wait3A_124 = arith.constant 0 : i32
    %dma_wait3A_125 = arith.constant 0 : i32
    %dma_wait3A_126 = tpu.memref_slice %arg6[%dma_wait3A_122, %dma_wait3A_124, %dma_wait3A_125] : memref<8x128x64xf32, #tpu.memory_space<vmem>> -> memref<1x128x64xf32, #tpu.memory_space<vmem>>
    %dma_wait3A_127 = tpu.memref_squeeze %dma_wait3A_126 : memref<1x128x64xf32, #tpu.memory_space<vmem>> -> memref<128x64xf32, #tpu.memory_space<vmem>>
    %dma_wait3A_128 = arith.constant 0 : i32
    %dma_wait3A_129 = tpu.memref_slice %arg4[%add3A_121, %dma_wait3A_128] : memref<819200x64xf32, #tpu.memory_space<hbm>> -> memref<128x64xf32, #tpu.memory_space<hbm>>
    %dma_wait3A_130 = tpu.memref_slice %arg8[%dma_wait3A_123] : memref<8x!tpu.dma_semaphore, #tpu.memory_space<semaphore_mem>> -> memref<1x!tpu.dma_semaphore, #tpu.memory_space<semaphore_mem>>
    %dma_wait3A_131 = tpu.memref_squeeze %dma_wait3A_130 : memref<1x!tpu.dma_semaphore, #tpu.memory_space<semaphore_mem>> -> memref<!tpu.dma_semaphore, #tpu.memory_space<semaphore_mem>>
    %dma_wait3A_132 = arith.constant 0 : i32
    %dma_wait3A_133 = tpu.memref_slice %arg4[%add3A_121, %dma_wait3A_132] : memref<819200x64xf32, #tpu.memory_space<hbm>> -> memref<128x64xf32, #tpu.memory_space<hbm>>
    %dma_wait3A_134 = arith.constant 0 : i32
    %dma_wait3A_135 = arith.constant 0 : i32
    %dma_wait3A_136 = tpu.memref_slice %arg6[%dma_wait3A_122, %dma_wait3A_134, %dma_wait3A_135] : memref<8x128x64xf32, #tpu.memory_space<vmem>> -> memref<1x128x64xf32, #tpu.memory_space<vmem>>
    %dma_wait3A_137 = tpu.memref_squeeze %dma_wait3A_136 : memref<1x128x64xf32, #tpu.memory_space<vmem>> -> memref<128x64xf32, #tpu.memory_space<vmem>>
    tpu.wait_dma2 semaphore(%dma_wait3A_131 : memref<!tpu.dma_semaphore, #tpu.memory_space<semaphore_mem>>) src(%dma_wait3A_137 : memref<128x64xf32, #tpu.memory_space<vmem>>) dst(%dma_wait3A_133 : memref<128x64xf32, #tpu.memory_space<hbm>>)
    return
  }
}

module attributes {stable_mosaic.version = 14 : i64} {
  func.func @_scale_body(%arg0: i32, %arg1: memref<5000x64xf32, #tpu.memory_space<vmem>>, %arg2: memref<5000x64xf32, #tpu.memory_space<vmem>>) attributes {dimension_semantics = [#tpu.dimension_semantics<arbitrary>], iteration_bounds = array<i64: 20>, scalar_prefetch = 0 : i64, scratch_operands = 0 : i64, tpu.core_type = #tpu.core_type<tc>, window_params = [{transform_indices = @transform_0, window_bounds = array<i64: 5000, 64>}, {transform_indices = @transform_1, window_bounds = array<i64: 5000, 64>}]} {
    %get3A = arith.constant 0 : index
    %get3A_0 = arith.constant 0 : index
    %get3A_1 = vector.load %arg1[%get3A, %get3A_0] : memref<5000x64xf32, #tpu.memory_space<vmem>>, vector<5000x64xf32>
    %mul3A = arith.constant 8.000000e+00 : f32
    %mul3A_2 = vector.broadcast %mul3A : f32 to vector<5000x64xf32>
    %mul3A_3 = arith.mulf %get3A_1, %mul3A_2 : vector<5000x64xf32>
    %swap3A = arith.constant 0 : index
    %swap3A_4 = arith.constant 0 : index
    %swap3A_5 = vector.load %arg2[%swap3A, %swap3A_4] : memref<5000x64xf32, #tpu.memory_space<vmem>>, vector<5000x64xf32>
    tpu.vector_store %arg2[%swap3A, %swap3A_4], %mul3A_3 {strides = array<i32>} : memref<5000x64xf32, #tpu.memory_space<vmem>>, vector<5000x64xf32>,
    return
  }
  func.func @transform_0(%arg0: i32) -> (i32, i32) {
    %c0_i32 = arith.constant 0 : i32
    %c0_i32_0 = arith.constant 0 : i32
    return %arg0, %c0_i32 : i32, i32
  }
  func.func @transform_1(%arg0: i32) -> (i32, i32) {
    %c0_i32 = arith.constant 0 : i32
    %c0_i32_0 = arith.constant 0 : i32
    return %arg0, %c0_i32 : i32, i32
  }
}

</mosaic_0001>

<sc_bundles>
// kernel: kernel.4.cloned.1.call-start
scs
__scs_entry_jumppad:
0x0: {  	(pc) =	sbr.rel $0x88, $3  }
0x1: {  	(tag) =	ssettag $0x0;
	lr =	simm.s32 $0x1  }
0x2: {  	[smem:$0x3F9F] =	sst lr;
	_ =	strace $0xD0000000  }
0x3: {  	_ = 	snop  }
0x4: {  	_ = 	snop  }
0x5: {  	_ = 	snop  }
0x6: {  	_ = 	snop  }
0x7: {  	_ = 	snop  }
__scs_overlays_trampoline_lowered:
0x8: {  	[smem:$0x3FAE] =	sst s0  }
0x9: {  	[smem:$0x3FAF] =	sst s1  }
0xa: {  	[smem:$0x3FB0] =	sst s2  }
0xb: {  	[smem:$0x3FB1] =	sst s3  }
0xc: {  	[smem:$0x3FB2] =	sst s4  }
0xd: {  	[smem:$0x3FB3] =	sst s5  }
0xe: {  	[smem:$0x3FB4] =	sst s6  }
0xf: {  	[smem:$0x3FB5] =	sst s7  }
0x10: {  	[smem:$0x3FB6] =	sst s8  }
0x11: {  	[smem:$0x3FB7] =	sst s9;
	s0 =	simm.s32 @!p0 $0x0  }
0x12: {  	s1 =	sld [smem:$0x3F9D];
	s0 =	simm.s32 @p0 $0x1  }
0x13: {  	[smem:$0x3FB8] =	sst s0;
	s0 =	simm.s32 @!p1 $0x0  }
0x14: {  	s2 =	sld [smem:$0x3F9C];
	s0 =	simm.s32 @p1 $0x1  }
0x15: {  	[smem:$0x3FB9] =	sst s0;
	s0 =	simm.s32 @!p2 $0x0  }
0x16: {  	s3 =	sld [smem:$0x3FDB];
	s0 =	simm.s32 @p2 $0x1  }
0x17: {  	s4 =	simm.s32 $0x1BF5;
	[smem:$0x3FBB] =	sst s0  }
0x18: {  	s0 =	sld [smem:$0x3F9E];
	_ =	swait.ge [sflag:s4], $0x0  }
0x19: {  	s7 =	sld [smem:$0x3F9F]  }
0x1a: {  	s8 =	sadd.s32 $0xFFFFE003, lr  }
0x1b: {  	s9 =	sadd.s32 $0xFFFFFEF7, lr;
	s5 =	simm.s32 $0xFFFFFFFF;
	p2 =	slt.u32 s8, $0xFFFFF086  }
0x1c: {  	p1 =	slt.u32 s9, $0xF7A;
	s5 =	simm.s32 @!p2 $0x0  }
0x1d: {  	s5 =	simm.s32 @p1 $0x1;
	p0 =	seq.s32 s7, s2  }
0x1e: {  	s7 =	smul.u32 @!p0 $0xF7A, s2;
	p2 =	seq.s32 @!p0 s5, $0x0  }
0x1f: {  	s9 =	smul.u32 $0xF7A, s1;
	s8 =	simm.s32 @!p0 $0x1BF5;
	p2 =	por !p2, p0  }
0x20: {  	[sflag:s8] =	ssyncset.s32 @!p0 $0xFFFFF086;
	s6 =	sadd.s32 @!p0 s3, s7;
	s7 =	simm.s32 @!p0 $0x108  }
0x21: {  	s3 =	sadd.s32 s3, s9;
	s6 =	sadd.s32 @!p0 $0x88, s6;
	s7 =	simm.s32 @p2 $0x1082  }
0x22: {  	[simem:s7], [sflag:s8] =	dma.local @!p0 [hbm:s6], $0xF7A  }
0x23: {  	s9 =	sor.u32 $0xD0000000, s2;
	s6 =	simm.s32 $0x108;
	_ =	swait.ge @!p0 [sflag:s8], $0x0  }
0x24: {  	s3 =	sadd.s32 $0x88, s3;
	s6 =	simm.s32 @!p1 $0x1082;
	[sflag:s4] =	ssyncset.s32 $0xFFFFF086  }
0x25: {  	[simem:s6], [sflag:s4] =	dma.local [hbm:s3], $0xF7A  }
0x26: {  	[smem:$0x3F9F] =	sst s1;
	(tag) =	ssettag s2;
	_ =	strace s9  }
0x27: {  	s1 =	sld [smem:$0x3FAF]  }
0x28: {  	s2 =	sld [smem:$0x3FB0]  }
0x29: {  	s4 =	sld [smem:$0x3FB2]  }
0x2a: {  	p0 =	seq.s32 s5, $0x0;
	s5 =	sld [smem:$0x3FB3]  }
0x2b: {  	s6 =	sld [smem:$0x3FB4]  }
0x2c: {  	s7 =	sld [smem:$0x3FB5]  }
0x2d: {  	s3 =	simm.s32 $0x108;
	s8 =	sld [smem:$0x3FB6]  }
0x2e: {  	s3 =	simm.s32 @!p0 $0x1082;
	s9 =	sld [smem:$0x3FB7]  }
0x2f: {  	lr =	sadd.s32 s0, s3;
	s0 =	sld [smem:$0x3FAE]  }
0x30: {  	s3 =	sld [smem:$0x3FB1]  }
0x31: {  	[smem:$0x3FBA] =	sst s10  }
0x32: {  	s10 =	sld [smem:$0x3FB8];
	_ =	sdelay $0x3  }
0x33: {  	p0 =	seq.s32 s10, $0x1;
	s10 =	sld [smem:$0x3FBA];
	_ =	sdelay $0x3  }
0x34: {  	[smem:$0x3FBA] =	sst s10  }
0x35: {  	s10 =	sld [smem:$0x3FB9];
	_ =	sdelay $0x3  }
0x36: {  	p1 =	seq.s32 s10, $0x1;
	s10 =	sld [smem:$0x3FBA];
	_ =	sdelay $0x3  }
0x37: {  	[smem:$0x3FBA] =	sst s10  }
0x38: {  	s10 =	sld [smem:$0x3FBB]  }
0x39: {  	_ = 	snop;
	(pc) =	sbr.ind lr, $3  }
0x3a: {  	_ = 	snop  }
0x3b: {  	_ = 	snop  }
0x3c: {  	p2 =	seq.s32 s10, $0x1;
	s10 =	sld [smem:$0x3FBA]  }
0x3d: {  	_ =	shalt  }
0x3e: {  	_ =	shalt  }
0x3f: {  	_ =	shalt  }
0x40: {  	_ =	shalt  }
0x41: {  	_ =	shalt  }
0x42: {  	_ =	shalt  }
0x43: {  	_ =	shalt  }
0x44: {  	_ =	shalt  }
0x45: {  	_ =	shalt  }
0x46: {  	_ =	shalt  }
0x47: {  	_ =	shalt  }
0x48: {  	_ =	shalt  }
0x49: {  	_ =	shalt  }
0x4a: {  	_ =	shalt  }
0x4b: {  	_ =	shalt  }
0x4c: {  	_ =	shalt  }
0x4d: {  	_ =	shalt  }
0x4e: {  	_ =	shalt  }
0x4f: {  	_ =	shalt  }
0x50: {  	_ =	shalt  }
0x51: {  	_ =	shalt  }
0x52: {  	_ =	shalt  }
0x53: {  	_ =	shalt  }
0x54: {  	_ =	shalt  }
0x55: {  	_ =	shalt  }
0x56: {  	_ =	shalt  }
0x57: {  	_ =	shalt  }
0x58: {  	_ =	shalt  }
0x59: {  	_ =	shalt  }
0x5a: {  	_ =	shalt  }
0x5b: {  	_ =	shalt  }
0x5c: {  	_ =	shalt  }
0x5d: {  	_ =	shalt  }
0x5e: {  	_ =	shalt  }
0x5f: {  	_ =	shalt  }
0x60: {  	_ =	shalt  }
0x61: {  	_ =	shalt  }
0x62: {  	_ =	shalt  }
0x63: {  	_ =	shalt  }
0x64: {  	_ =	shalt  }
0x65: {  	_ =	shalt  }
0x66: {  	_ =	shalt  }
0x67: {  	_ =	shalt  }
0x68: {  	_ =	shalt  }
0x69: {  	_ =	shalt  }
0x6a: {  	_ =	shalt  }
0x6b: {  	_ =	shalt  }
0x6c: {  	_ =	shalt  }
0x6d: {  	_ =	shalt  }
0x6e: {  	_ =	shalt  }
0x6f: {  	_ =	shalt  }
0x70: {  	_ =	shalt  }
0x71: {  	_ =	shalt  }
0x72: {  	_ =	shalt  }
0x73: {  	_ =	shalt  }
0x74: {  	_ =	shalt  }
0x75: {  	_ =	shalt  }
0x76: {  	_ =	shalt  }
0x77: {  	_ =	shalt  }
0x78: {  	_ =	shalt  }
0x79: {  	_ =	shalt  }
0x7a: {  	_ =	shalt  }
0x7b: {  	_ =	shalt  }
0x7c: {  	_ =	shalt  }
0x7d: {  	_ =	shalt  }
0x7e: {  	_ =	shalt  }
0x7f: {  	_ =	shalt  }
0x80: {  	_ =	shalt  }
0x81: {  	_ =	shalt  }
0x82: {  	_ =	shalt  }
0x83: {  	_ =	shalt  }
0x84: {  	_ =	shalt  }
0x85: {  	_ =	shalt  }
0x86: {  	_ =	shalt  }
0x87: {  	_ =	shalt  }
.Lfunc_end0:
.L_simem_size_0:
called_computation.1_lowered:
.L_overlay_start_0:
0x88: {  	s2 =	sld [smem:$0x3FD9]  }
0x89: {  	s3 =	sld [smem:$0x3FFE];
	_ =	sdelay $0x1  }
0x8a: {  	s1 =	srdreg.scid  }
0x8b: {  	s0 =	sand.u32 $0x1, s1  }
0x8c: {  	s17 =	sshll.u32 s0, $0xA;
	s2 =	sadd.s32 s3, s2  }
0x8d: {  	s2 =	sadd.s32 s2, s17  }
0x8e: {  	[smem:$0x3FC6] =	sst s2  }
0x8f: {  	_ = 	snop  }
0x90: {  	s2 =	sld [smem:$0x3FD0];
	(tm) =	ssettm $0x1  }
0x91: {  	s18 =	sld [smem:$0x3FFB];
	_ =	sdelay $0x3  }
0x92: {  	_ =	strace s18  }
0x93: {  	s3 =	sld [smem:$0x3FFC];
	_ =	sdelay $0x3  }
0x94: {  	_ =	strace s3  }
0x95: {  	s3 =	sld [smem:$0x3FFD];
	_ =	sdelay $0x3  }
0x96: {  	_ =	strace s3  }
0x97: {  	_ =	strace $0x8FFFFFFF  }
0x98: {  	s19 =	sld [smem:$0x3FDB];
	_ =	sdelay $0x1  }
0x99: {  	s4 =	simm.s32 $_scs_section_size  }
0x9a: {  	s5 =	simm.s32 $_size__tile_overlayer_lowered;
	s6 =	simm.s32 $_tile_overlayer_lowered  }
0x9b: {  	s22 =	simm.s32 $0x1BFF;
	s21 =	sshll.u32 s6, $0x1;
	s3 =	sadd.s32 s4, s19  }
0x9c: {  	s7 =	simm.s32 $0x0;
	s20 =	sshll.u32 s5, $0x1;
	s5 =	sadd.s32 s21, s3  }
0x9d: {  	[timem:s7], [sflag:s22] =	dma.local [hbm:s5], s20  }
0x9e: {  	_ =	swait.ge [sflag:s22], s20  }
0x9f: {  	s4 =	ssub.s32 $0x0, s20;
	[sflag:s22] =	ssyncset.done $0x0  }
0xa0: {  	[sflag:s22] =	ssyncadd.s32 s4;
	_ =	sdelay $0x1  }
0xa1: {  	s23 =	simm.s32 $0x1B8B  }
0xa2: {  	_ =	swait.ge [sflag:s23], $0x1  }
0xa3: {  	[sflag:s23] =	ssyncset.done $0x0  }
0xa4: {  	s25 =	simm.s32 $0x1B8E;
	s24 =	sld [smem:$0x3FFE];
	[sflag:s23] =	ssyncadd.s32 $0xFFFFFFFF  }
0xa5: {  	s26 =	simm.s32 $execute0_lowered;
	[smem:$0x3FD2] =	sst s25  }
0xa6: {  	s5 =	sshll.u32 s26, $0x1;
	_ =	strace $0x80000046;
	[dreg:$0x1] =	wrdreg $0xFFFFFFFF  }
0xa7: {  	s28 =	simm.s32 $_size_execute0_lowered;
	s3 =	sadd.s32 s3, s5;
	[dreg:$0x0] =	wrdreg $0x0  }
0xa8: {  	s5 =	sshll.u32 s28, $0x1;
	[dreg:$0x2] =	wrdreg s3  }
0xa9: {  	[dreg:$0x3] =	wrdreg s5  }
0xaa: {  	[dreg:$0x4] =	wrdreg $0xC0  }
0xab: {  	_ =	task [dreg:s7], $0x5FFFF  }
0xac: {  	[dreg:$0x1] =	wrdreg $0xFFFFFFFF  }
0xad: {  	[dreg:$0x0] =	wrdreg $0x60  }
0xae: {  	[dreg:$0x2] =	wrdreg s24  }
0xaf: {  	[dreg:$0x3] =	wrdreg s2  }
0xb0: {  	[dreg:$0x4] =	wrdreg $0x9  }
0xb1: {  	_ =	task.clear_ibuf [dreg:s7], $0x5FFFF;
	_ =	strace $0x90000046  }
0xb2: {  	s29 =	simm.s32 $0x9;
	_ =	strace $0x80000048  }
0xb3: {  	_ =	swait.ge [sflag:s29], $0x1  }
0xb4: {  	[sflag:s29] =	ssyncadd.s32 $0xFFFFFFFF  }
0xb5: {  	_ =	strace $0x90000048  }
0xb6: {  	_ =	sfence  }
0xb7: {  	s30 =	sld [smem:$0x0];
	_ =	sdelay $0x2  }
0xb8: {  	s31 =	sshll.u32 s1, $0xD;
	s1 =	sshrl.u32 s1, $0x2  }
0xb9: {  	s3 =	sand.u32 $0x4000, s31;
	s1 =	sadd.s32 s1, s30  }
0xba: {  	s0 =	sor.u32 s3, s0;
	s1 =	sshll.u32 s1, $0x11  }
0xbb: {  	s0 =	sor.u32 s1, s0  }
0xbc: {  	s0 =	sadd.s32 $0x8F2B, s0  }
0xbd: {  	[sflag:s0] =	ssyncadd.remote.s32 $0x1  }
0xbe: {  	_ =	sfence.sel $0xFFFF  }
0xbf: {  	[dreg:$0x0] =	wrdreg $0xFFFFFFFF;
	(pc) =	sbr.abs _section_cstart, $3  }
0xc0: {  	[dreg:$0x1] =	wrdreg $0xFFFFFFFF  }
0xc1: {  	_ =	task.clear_ibuf [dreg:s7], $0x2FFFF;
	_ =	strace $0x9FFFFFFF  }
0xc2: {  	(tm) =	ssettm $0x7FFFFFFF  }
0xc3: {  	_ =	shalt  }
tec
execute0_lowered:
.L_overlay_start_1:
0x0: {  	(tag) =	ssettag $0x1  }
0x1: {  	s0 =	srdreg.scid  }
0x2: {  	s4 =	stileid.u32;
	s1 =	rddreg [dreg:$0x0]  }
0x3: {  	s3 =	simm.s32 $0x0;
	s16 =	simm.s32 $0x80;
	s28 =	simm.s32 $0x3  }
0x4: {  	s29 =	simm.s32 $0x12400;
	s30 =	simm.s32 $0x4;
	s31 =	simm.s32 $0x14400  }
0x5: {  	s19 =	simm.s32 $0x8;
	s0 =	sand.u32 $0x1, s0;
	s5 =	smul.u32 $0x320000, s4  }
0x6: {  	s2 =	sshll.u32 s4, $0x1;
	[smem:$0x7FF] =	sst s3;
	s6 =	smul.u32 $0xC800, s4  }
0x7: {  	s4 =	sadd.s32 $0x1A0200, s1;
	s7 =	ssub.s32 $0x2, s0;
	s8 =	smul.u32 $0x6400, s0  }
0x8: {  	s2 =	sor.u32 s0, s2;
	s0 =	smul.u32 $0x190000, s0;
	s9 =	sshrl.u32 s7, $0x1  }
0x9: {  	_ =	strace $0x80000047;
	s2 =	smul.u32 $0x6400, s2;
	s21 =	ssub.s32 s7, s9  }
0xa: {  	s6 =	sadd.s32 s8, s6;
	s0 =	sadd.s32 s0, s5;
	s7 =	simm.s32 $0x0  }
0xb: {  	s2 =	sshrl.u32 s2, $0x3;
	s22 =	sshll.u32 s6, $0x3;
	s23 =	sshrl.u32 s0, $0x3  }
0xc: {  	s24 =	sor.u32 $0xE000, s0;
	s25 =	sor.u32 $0xC000, s0;
	s26 =	sor.u32 $0xA000, s0  }
0xd: {  	s0 =	sor.u32 $0x8000, s0;
	s1 =	sadd.s32 s2, s1;
	s2 =	smax.u32 s21, $0x1  }
0xe: {  	[dreg:$0x5] =	wrdreg s23;
	s8 =	sor.u32 $0xC00, s22;
	s9 =	sor.u32 $0x800, s22  }
0xf: {  	s10 =	sor.u32 $0x400, s22;
	s11 =	sshrl.u32 s24, $0x3;
	s12 =	sshrl.u32 s25, $0x3  }
.Ltmp0:
0x10: {  	s13 =	sshrl.u32 s26, $0x3;
	s14 =	sshrl.u32 s0, $0x3;
	(pc) =	sbr.rel .LBB2_1-.Ltmp0, $4  }
0x11: {  	s22 =	simm.s32 $0xC400;
	s23 =	simm.s32 $0x1;
	s24 =	simm.s32 $0xE400  }
0x12: {  	s25 =	simm.s32 $0x2;
	s26 =	simm.s32 $0x10400;
	s0 =	simm.s32 $0x6  }
0x13: {  	s21 =	simm.s32 $0xC;
	s1 =	sadd.s32 $0x800, s1;
	[dreg:$0x4] =	wrdreg s2  }
0x14: {  	s2 =	simm.s32 $0x7;
	[dreg:$0x3] =	wrdreg s1;
	s1 =	simm.s32 $0x5  }
.LBB2_4:
0x15: {  	s5 =	simm.s32 $0xD  }
0x16: {  	_ =	swait.ge [sflag:s5], $0x2000  }
0x17: {  	[sflag:s5] =	ssyncset.done $0x0  }
0x18: {  	s17 =	simm.s32 $0xE;
	[sflag:s5] =	ssyncadd.s32 $0xFFFFE000  }
0x19: {  	_ =	swait.ge [sflag:s17], $0x2000  }
0x1a: {  	[sflag:s17] =	ssyncset.done $0x0  }
0x1b: {  	s18 =	simm.s32 $0xF;
	[sflag:s17] =	ssyncadd.s32 $0xFFFFE000  }
0x1c: {  	_ =	swait.ge [sflag:s18], $0x2000  }
0x1d: {  	[sflag:s18] =	ssyncset.done $0x0  }
0x1e: {  	s6 =	simm.s32 $0x10;
	[sflag:s18] =	ssyncadd.s32 $0xFFFFE000  }
0x1f: {  	_ =	swait.ge [sflag:s6], $0x2000  }
0x20: {  	s7 =	rddreg [dreg:$0x6]  }
0x21: {  	s20 =	rddreg [dreg:$0x4];
	s7 =	sadd.s32 $0x1, s7  }
0x22: {  	p0 =	sne.s32 s7, s20  }
.Ltmp1:
0x23: {  	_ = 	snop;
	(pc) =	sbr.rel @!p0 .LBB2_5-.Ltmp1, $3  }
0x24: {  	_ =	sdelay $0x1  }
0x25: {  	[sflag:s6] =	ssyncset.done $0x0  }
0x26: {  	[sflag:s6] =	ssyncadd.s32 $0xFFFFE000  }
.LBB2_1:
0x27: {  	[dreg:$0x6] =	wrdreg s7  }
0x28: {  	s5 =	rddreg [dreg:$0x3];
	s7 =	simm.s32 $0x11  }
0x29: {  	[tilespmem:s3], [sflag:$0x11] =	stream.linear.gather [hbm4b:s5+s3], $0x6400, $0x38;
	[tilespmem:$0x16400] =	vst v63  }
0x2a: {  	_ =	swait.ge [sflag:s7], $0x6400  }
0x2b: {  	[sflag:s7] =	ssyncset.done $0x0  }
0x2c: {  	s15 =	simm.s32 $0x6400;
	[sflag:s7] =	ssyncadd.s32 $0xFFFF9C00  }
0x2d: {  	[tilespmem:s15], [sflag:$0x1] =	stream.indirect.gather [hbm4b:s4+s16], $0x40, s3, s16, $0xb8;
	[tilespmem:$0x16400] =	vst v63  }
0x2e: {  	s17 =	simm.s32 $0x8400  }
0x2f: {  	[tilespmem:s17], [sflag:$0x2] =	stream.indirect.gather [hbm4b:s4+s16], $0x40, s16, s16, $0xb8;
	[tilespmem:$0x16400] =	vst v63  }
0x30: {  	s18 =	simm.s32 $0x100;
	s6 =	simm.s32 $0xA400  }
0x31: {  	[tilespmem:s6], [sflag:$0x3] =	stream.indirect.gather [hbm4b:s4+s16], $0x40, s18, s16, $0xb8;
	[tilespmem:$0x16400] =	vst v63  }
0x32: {  	s20 =	simm.s32 $0x180;
	s15 =	simm.s32 $0x0;
	s6 =	rddreg [dreg:$0x1]  }
0x33: {  	[tilespmem:s22], [sflag:$0x4] =	stream.indirect.gather [hbm4b:s4+s16], $0x40, s20, s16, $0xb8;
	[tilespmem:$0x16400] =	vst v63  }
.LBB2_2:
0x34: {  	_ =	swait.ge [sflag:s23], $0x2000;
	s7 =	simm.s32 $0x6400  }
0x35: {  	p0 =	seq.s32 s15, $0x0;
	[sflag:s23] =	ssyncset.done $0x0;
	s5 =	rddreg [dreg:$0x5]  }
0x36: {  	s17 =	simm.s32 @!p0 $0xD;
	[sflag:s23] =	ssyncadd.s32 $0xFFFFE000;
	s5 =	sadd.s32 s6, s5  }
0x37: {  	[hbm4b:s5+s3] =	stream.linear.scatter [tilespmem:s7], [sflag:$0x9], $0x2000, $0x38;
	[tilespmem:$0x16400] =	vst v63  }
0x38: {  	_ =	swait.ge @!p0 [sflag:s17], $0x2000  }
0x39: {  	s5 =	sshra.s32 s15, $0x2;
	[sflag:s17] =	ssyncset.done @!p0 $0x0  }
0x3a: {  	s7 =	sadd.s32 $0x200, s5;
	[sflag:s17] =	ssyncadd.s32 @!p0 $0xFFFFE000  }
0x3b: {  	[tilespmem:s24], [sflag:$0x5] =	stream.indirect.gather [hbm4b:s4+s16], $0x40, s7, s16, $0xb8;
	[tilespmem:$0x16400] =	vst v63  }
0x3c: {  	_ =	swait.ge [sflag:s25], $0x2000  }
0x3d: {  	s18 =	sadd.s32 s6, s10;
	[sflag:s25] =	ssyncset.done $0x0  }
0x3e: {  	s20 =	simm.s32 $0x8400;
	s17 =	simm.s32 @!p0 $0xE;
	[sflag:s25] =	ssyncadd.s32 $0xFFFFE000  }
0x3f: {  	[hbm4b:s18+s3] =	stream.linear.scatter [tilespmem:s20], [sflag:$0xA], $0x2000, $0x38;
	[tilespmem:$0x16400] =	vst v63  }
0x40: {  	_ =	swait.ge @!p0 [sflag:s17], $0x2000  }
0x41: {  	[sflag:s17] =	ssyncset.done @!p0 $0x0  }
0x42: {  	s7 =	sadd.s32 $0x280, s5;
	[sflag:s17] =	ssyncadd.s32 @!p0 $0xFFFFE000  }
0x43: {  	[tilespmem:s26], [sflag:$0x6] =	stream.indirect.gather [hbm4b:s4+s16], $0x40, s7, s16, $0xb8;
	[tilespmem:$0x16400] =	vst v63  }
0x44: {  	_ =	swait.ge [sflag:s28], $0x2000  }
0x45: {  	s18 =	sadd.s32 s6, s9;
	[sflag:s28] =	ssyncset.done $0x0  }
0x46: {  	s20 =	simm.s32 $0xA400;
	s17 =	simm.s32 @!p0 $0xF;
	[sflag:s28] =	ssyncadd.s32 $0xFFFFE000  }
0x47: {  	[hbm4b:s18+s3] =	stream.linear.scatter [tilespmem:s20], [sflag:$0xB], $0x2000, $0x38;
	[tilespmem:$0x16400] =	vst v63  }
0x48: {  	_ =	swait.ge @!p0 [sflag:s17], $0x2000  }
0x49: {  	[sflag:s17] =	ssyncset.done @!p0 $0x0  }
0x4a: {  	s7 =	sadd.s32 $0x300, s5;
	[sflag:s17] =	ssyncadd.s32 @!p0 $0xFFFFE000  }
0x4b: {  	[tilespmem:s29], [sflag:$0x7] =	stream.indirect.gather [hbm4b:s4+s16], $0x40, s7, s16, $0xb8;
	[tilespmem:$0x16400] =	vst v63  }
0x4c: {  	_ =	swait.ge [sflag:s30], $0x2000  }
0x4d: {  	[sflag:s30] =	ssyncset.done $0x0  }
0x4e: {  	s18 =	sadd.s32 s6, s8;
	s17 =	simm.s32 @!p0 $0x10;
	[sflag:s30] =	ssyncadd.s32 $0xFFFFE000  }
0x4f: {  	[hbm4b:s18+s3] =	stream.linear.scatter [tilespmem:s22], [sflag:$0xC], $0x2000, $0x38;
	[tilespmem:$0x16400] =	vst v63  }
0x50: {  	_ =	swait.ge @!p0 [sflag:s17], $0x2000  }
0x51: {  	[sflag:s17] =	ssyncset.done @!p0 $0x0  }
0x52: {  	s20 =	sadd.s32 $0x380, s5;
	[sflag:s17] =	ssyncadd.s32 @!p0 $0xFFFFE000  }
0x53: {  	[tilespmem:s31], [sflag:$0x8] =	stream.indirect.gather [hbm4b:s4+s16], $0x40, s20, s16, $0xb8;
	[tilespmem:$0x16400] =	vst v63  }
0x54: {  	_ =	swait.ge [sflag:s1], $0x2000  }
0x55: {  	p0 =	seq.s32 s15, $0x18000;
	[sflag:s1] =	ssyncset.done $0x0  }
0x56: {  	s7 =	sadd.s32 s6, s14;
	s17 =	simm.s32 @!p0 $0x9;
	[sflag:s1] =	ssyncadd.s32 $0xFFFFE000  }
0x57: {  	[hbm4b:s7+s3] =	stream.linear.scatter [tilespmem:s24], [sflag:$0xD], $0x2000, $0x38;
	[tilespmem:$0x16400] =	vst v63  }
0x58: {  	_ =	swait.ge @!p0 [sflag:s17], $0x2000  }
0x59: {  	[sflag:s17] =	ssyncset.done @!p0 $0x0  }
0x5a: {  	[sflag:s17] =	ssyncadd.s32 @!p0 $0xFFFFE000;
	s17 =	sshra.s32 @!p0 s15, $0x2  }
0x5b: {  	s20 =	simm.s32 @!p0 $0x80;
	s7 =	simm.s32 @!p0 $0x6400;
	s18 =	sadd.s32 @!p0 $0x400, s17  }
0x5c: {  	[tilespmem:s7], [sflag:$0x1] =	stream.indirect.gather @!p0 [hbm4b:s4+s20], $0x40, s18, s20, $0xb8;
	[tilespmem:$0x16400] =	vst v63  }
0x5d: {  	_ =	swait.ge [sflag:s0], $0x2000  }
0x5e: {  	[sflag:s0] =	ssyncset.done $0x0  }
0x5f: {  	s18 =	sadd.s32 s6, s13;
	s7 =	simm.s32 @!p0 $0xA;
	[sflag:s0] =	ssyncadd.s32 $0xFFFFE000  }
0x60: {  	[hbm4b:s18+s3] =	stream.linear.scatter [tilespmem:s26], [sflag:$0xE], $0x2000, $0x38;
	[tilespmem:$0x16400] =	vst v63  }
0x61: {  	_ =	swait.ge @!p0 [sflag:s7], $0x2000  }
0x62: {  	[sflag:s7] =	ssyncset.done @!p0 $0x0  }
0x63: {  	s18 =	simm.s32 @!p0 $0x8400;
	[sflag:s7] =	ssyncadd.s32 @!p0 $0xFFFFE000;
	s7 =	sadd.s32 @!p0 $0x480, s17  }
0x64: {  	[tilespmem:s18], [sflag:$0x2] =	stream.indirect.gather @!p0 [hbm4b:s4+s20], $0x40, s7, s20, $0xb8;
	[tilespmem:$0x16400] =	vst v63  }
0x65: {  	_ =	swait.ge [sflag:s2], $0x2000  }
0x66: {  	[sflag:s2] =	ssyncset.done $0x0  }
0x67: {  	s18 =	sadd.s32 s6, s12;
	s7 =	simm.s32 @!p0 $0xB;
	[sflag:s2] =	ssyncadd.s32 $0xFFFFE000  }
0x68: {  	[hbm4b:s18+s3] =	stream.linear.scatter [tilespmem:s29], [sflag:$0xF], $0x2000, $0x38;
	[tilespmem:$0x16400] =	vst v63  }
0x69: {  	_ =	swait.ge @!p0 [sflag:s7], $0x2000  }
0x6a: {  	[sflag:s7] =	ssyncset.done @!p0 $0x0  }
0x6b: {  	[sflag:s7] =	ssyncadd.s32 @!p0 $0xFFFFE000;
	s7 =	sadd.s32 @!p0 $0x500, s17;
	s17 =	simm.s32 @!p0 $0xA400  }
0x6c: {  	[tilespmem:s17], [sflag:$0x3] =	stream.indirect.gather @!p0 [hbm4b:s4+s20], $0x40, s7, s20, $0xb8;
	[tilespmem:$0x16400] =	vst v63  }
.Ltmp2:
0x6d: {  	_ = 	snop;
	(pc) =	sbr.rel @p0 .LBB2_4-.Ltmp2, $4  }
0x6e: {  	_ =	swait.ge [sflag:s19], $0x2000  }
0x6f: {  	[sflag:s19] =	ssyncset.done $0x0  }
0x70: {  	s20 =	sadd.s32 s6, s11;
	[sflag:s19] =	ssyncadd.s32 $0xFFFFE000  }
0x71: {  	[hbm4b:s20+s3] =	stream.linear.scatter [tilespmem:s31], [sflag:$0x10], $0x2000, $0x38;
	[tilespmem:$0x16400] =	vst v63  }
.Ltmp3:
0x72: {  	(pc) =	sbr.rel .LBB2_2-.Ltmp3, $4  }
0x73: {  	_ =	swait.ge [sflag:s21], $0x2000  }
0x74: {  	s5 =	sadd.s32 $0x580, s5;
	[sflag:s21] =	ssyncset.done $0x0  }
0x75: {  	s15 =	sadd.s32 $0x1000, s15;
	s6 =	sadd.s32 $0x2000, s6;
	[sflag:s21] =	ssyncadd.s32 $0xFFFFE000  }
0x76: {  	[tilespmem:s22], [sflag:$0x4] =	stream.indirect.gather [hbm4b:s4+s16], $0x40, s5, s16, $0xb8;
	[tilespmem:$0x16400] =	vst v63  }
.LBB2_5:
0x77: {  	_ =	sfence.sel $0x180000  }
0x78: {  	[bflag:$0x0] =	sbarrier.arrive $0xFFFF  }
0x79: {  	_ =	strace $0x90000047  }
0x7a: {  	s0 =	stileid.u32;
	[bflag:$0x2] =	sbarrier.arrive $0xFFFF  }
0x7b: {  	p0 =	sne.s32 s0, $0x0;
	s0 =	rddreg [dreg:$0x2]  }
0x7c: {  	s0 =	sadd.s32 @!p0 $0x100000, s0  }
0x7d: {  	[sflag:s0] =	ssyncadd.tile.s32 @!p0 $0x1;
	_ =	shalt  }
.Lfunc_end2:
_tile_overlayer_lowered:
.L_overlay_start_2:
0x7e: {  	(tag) =	ssettag $0x2  }
0x7f: {  	s0 =	rddreg [dreg:$0x0];
	s2 =	stileid.u32  }
0x80: {  	s1 =	rddreg [dreg:$0x1];
	p0 =	sne.s32 s2, $0x0  }
0x81: {  	s3 =	rddreg [dreg:$0x2];
	[bflag:$0x3] =	sbarrier.arrive $0xFFFF;
	s2 =	simm.s32 @!p0 $0x1C11  }
0x82: {  	[timem:s3], [sflag:s2] =	dma.local @!p0 [hbm:s0], s1  }
0x83: {  	s0 =	simm.s32 @!p0 $0x11  }
0x84: {  	_ =	swait.ge @!p0 [sflag:s0], s1  }
0x85: {  	s1 =	ssub.s32 @!p0 $0x0, s1;
	[sflag:s0] =	ssyncset.done @!p0 $0x0  }
0x86: {  	[sflag:s0] =	ssyncadd.s32 @!p0 s1  }
0x87: {  	[bflag:$0x3] =	sbarrier.arrive $0xFFFF  }
0x88: {  	_ =	shalt  }

// kernel: sparse-core-data-format-call.cloned.1.call-start
scs
called_computation_lowered:
.L_overlay_start_0:
0x0: {  	s2 =	sld [smem:$0x3FD9]  }
0x1: {  	s3 =	sld [smem:$0x3FFE];
	_ =	sdelay $0x1  }
0x2: {  	s1 =	srdreg.scid  }
0x3: {  	s0 =	sand.u32 $0x1, s1  }
0x4: {  	s18 =	sshll.u32 s0, $0xA;
	s2 =	sadd.s32 s3, s2  }
0x5: {  	s2 =	sadd.s32 s2, s18  }
0x6: {  	[smem:$0x3FC6] =	sst s2  }
0x7: {  	_ = 	snop  }
0x8: {  	s2 =	sld [smem:$0x3FD0];
	(tm) =	ssettm $0x1  }
0x9: {  	s19 =	sld [smem:$0x3FFB];
	_ =	sdelay $0x3  }
0xa: {  	_ =	strace s19  }
0xb: {  	s3 =	sld [smem:$0x3FFC];
	_ =	sdelay $0x3  }
0xc: {  	_ =	strace s3  }
0xd: {  	s3 =	sld [smem:$0x3FFD];
	_ =	sdelay $0x3  }
0xe: {  	_ =	strace s3  }
0xf: {  	_ =	strace $0x8FFFFFFF  }
0x10: {  	s20 =	sld [smem:$0x3FDB];
	_ =	sdelay $0x1  }
0x11: {  	s4 =	simm.s32 $_scs_section_size  }
0x12: {  	s5 =	simm.s32 $_size__tile_overlayer_lowered;
	s6 =	simm.s32 $_tile_overlayer_lowered  }
0x13: {  	s23 =	simm.s32 $0x1BFF;
	s22 =	sshll.u32 s6, $0x1;
	s3 =	sadd.s32 s4, s20  }
0x14: {  	s7 =	simm.s32 $0x0;
	s21 =	sshll.u32 s5, $0x1;
	s5 =	sadd.s32 s22, s3  }
0x15: {  	[timem:s7], [sflag:s23] =	dma.local [hbm:s5], s21  }
0x16: {  	_ =	swait.ge [sflag:s23], s21  }
0x17: {  	s4 =	ssub.s32 $0x0, s21;
	[sflag:s23] =	ssyncset.done $0x0  }
0x18: {  	[sflag:s23] =	ssyncadd.s32 s4;
	_ =	sdelay $0x1  }
0x19: {  	s24 =	simm.s32 $0x1B8B  }
0x1a: {  	_ =	swait.ge [sflag:s24], $0x1  }
0x1b: {  	[sflag:s24] =	ssyncset.done $0x0  }
0x1c: {  	s26 =	simm.s32 $0x1B8E;
	s25 =	sld [smem:$0x3FFE];
	[sflag:s24] =	ssyncadd.s32 $0xFFFFFFFF  }
0x1d: {  	s27 =	simm.s32 $execute0_lowered;
	[smem:$0x3FD2] =	sst s26  }
0x1e: {  	s5 =	sshll.u32 s27, $0x1;
	_ =	strace $0x80000049;
	[dreg:$0x1] =	wrdreg $0xFFFFFFFF  }
0x1f: {  	s28 =	simm.s32 $_size_execute0_lowered;
	s3 =	sadd.s32 s3, s5;
	[dreg:$0x0] =	wrdreg $0x0  }
0x20: {  	s5 =	sshll.u32 s28, $0x1;
	[dreg:$0x2] =	wrdreg s3  }
0x21: {  	[dreg:$0x3] =	wrdreg s5  }
0x22: {  	[dreg:$0x4] =	wrdreg $0xC0  }
0x23: {  	_ =	task [dreg:s7], $0x5FFFF  }
0x24: {  	[dreg:$0x1] =	wrdreg $0xFFFFFFFF  }
0x25: {  	[dreg:$0x0] =	wrdreg $0x60  }
0x26: {  	[dreg:$0x2] =	wrdreg s25  }
0x27: {  	[dreg:$0x3] =	wrdreg s2  }
0x28: {  	[dreg:$0x4] =	wrdreg $0x9  }
0x29: {  	_ =	task.clear_ibuf [dreg:s7], $0x5FFFF;
	_ =	strace $0x90000049  }
0x2a: {  	s29 =	simm.s32 $0x9;
	_ =	strace $0x8000004B  }
0x2b: {  	_ =	swait.ge [sflag:s29], $0x1  }
0x2c: {  	[sflag:s29] =	ssyncadd.s32 $0xFFFFFFFF  }
0x2d: {  	_ =	strace $0x9000004B  }
0x2e: {  	_ =	sfence  }
0x2f: {  	s30 =	sld [smem:$0x0];
	_ =	sdelay $0x2  }
0x30: {  	s31 =	sshll.u32 s1, $0xD;
	s1 =	sshrl.u32 s1, $0x2  }
0x31: {  	s3 =	sand.u32 $0x4000, s31;
	s1 =	sadd.s32 s1, s30  }
0x32: {  	s0 =	sor.u32 s3, s0;
	s1 =	sshll.u32 s1, $0x11  }
0x33: {  	s0 =	sor.u32 s1, s0  }
0x34: {  	s0 =	sadd.s32 $0x8F2B, s0  }
0x35: {  	[sflag:s0] =	ssyncadd.remote.s32 $0x1  }
0x36: {  	_ =	sfence.sel $0xFFFF  }
0x37: {  	[dreg:$0x0] =	wrdreg $0xFFFFFFFF;
	(pc) =	sbr.abs _section_cstart, $3  }
0x38: {  	[dreg:$0x1] =	wrdreg $0xFFFFFFFF  }
0x39: {  	_ =	task.clear_ibuf [dreg:s7], $0x2FFFF;
	_ =	strace $0x9FFFFFFF  }
0x3a: {  	(tm) =	ssettm $0x7FFFFFFF  }
0x3b: {  	_ =	shalt  }
tec
execute0_lowered:
.L_overlay_start_1:
0x0: {  	(tag) =	ssettag $0x1  }
0x1: {  	s0 =	srdreg.scid  }
0x2: {  	s1 =	sshll.u32 s0, $0x4  }
0x3: {  	s5 =	rddreg [dreg:$0x0];
	s0 =	stileid.u32;
	s1 =	sand.u32 $0x10, s1  }
0x4: {  	s3 =	rddreg [dreg:$0x1];
	s31 =	simm.s32 $0x2;
	s4 =	sor.u32 s0, s1  }
0x5: {  	s13 =	simm.s32 $0x0;
	s9 =	simm.s32 $0x400;
	s2 =	sshll.u32 s4, $0x7  }
0x6: {  	s10 =	simm.s32 $0x8000;
	s14 =	simm.s32 $0x0;
	s6 =	ssub.s32 $0x1000, s2  }
0x7: {  	s1 =	rddreg [dreg:$0x2];
	_ =	strace $0x8000004A;
	s7 =	sand.u32 $0xF80, s6  }
0x8: {  	s4 =	sshll.u32 s4, $0xB;
	p0 =	sne.s32 s7, $0x0;
	s7 =	simm.s32 $0x1  }
.Ltmp0:
0x9: {  	s6 =	sshrl.u32 s6, $0xC;
	s7 =	simm.s32 @!p0 $0x0;
	(pc) =	sbr.rel .LBB1_1-.Ltmp0, $4  }
0xa: {  	s8 =	sadd.s32 s4, s5;
	s4 =	simm.s32 $0x1;
	s30 =	sadd.s32 s7, s6  }
0xb: {  	s11 =	simm.s32 $0x0;
	[sflag:s4] =	ssyncpa.u1 $0x0;
	s5 =	smul.u32 $0x64, s30  }
0xc: {  	s12 =	simm.s32 $0x0;
	[sflag:s31] =	ssyncpa.u1 $0x0;
	p0 =	por $0x0, $0x0  }
0xd: {  	s6 =	sadd.s32 $0x800, s8;
	s7 =	sadd.s32 $0x10800, s8;
	s8 =	sor.u32 $0x1, s5  }
.LBB1_7:
0xe: {  	s15 =	sadd.s32 $0x2, s11  }
0xf: {  	p2 =	sgt.s32 s15, $0xC7  }
0x10: {  	s15 =	simm.s32 @p2 $0x0;
	p2 =	sne.s32 s12, s8  }
.Ltmp1:
0x11: {  	p1 =	slt.u32 s12, $0x2;
	(pc) =	sbr.rel @!p2 .LBB1_8-.Ltmp1, $4  }
0x12: {  	s13 =	simm.s32 @!p1 $0x2  }
0x13: {  	s16 =	sadd.s32 $0x1, s12;
	s14 =	smov.u32 s11;
	_ =	swait.ge @!p1 [sflag:s13], $0x4000  }
0x14: {  	p0 =	por !p0, !p0;
	s12 =	smov.u32 s16;
	[sflag:s13] =	ssyncset.done @!p1 $0x0  }
0x15: {  	s11 =	smov.u32 s15;
	[sflag:s13] =	ssyncadd.s32 @!p1 $0xFFFFC000;
	s13 =	smov.u32 s2  }
.LBB1_1:
0x16: {  	p1 =	sge.u32 s12, s5  }
0x17: {  	s15 =	sxor.u32 @!p1 $0xFFFFFFFF, s12  }
0x18: {  	s16 =	sshll.u32 @!p1 s11, $0x10;
	s18 =	simm.s32 @!p1 $0x40;
	s15 =	sshll.u32 @!p1 s15, $0xE  }
0x19: {  	s19 =	simm.s32 @!p1 $0x80;
	s17 =	sadd.s32 @!p1 s16, s6;
	s15 =	sand.u32 @!p1 $0x4000, s15  }
0x1a: {  	[tilespmem:s15], [sflag:$0x1] =	stream.strided.gather @!p1 [hbm4b:s17+s18], $0x2000, s19, s18, $0x38;
	[tilespmem:$0x10100] =	vst v63  }
0x1b: {  	s31 =	sadd.s32 $0xFFFFFFFF, s12;
	s16 =	sadd.s32 @!p1 s16, s7;
	s15 =	sor.u32 @!p1 $0x2000, s15  }
0x1c: {  	[tilespmem:s15], [sflag:$0x1] =	stream.strided.gather @!p1 [hbm4b:s16+s18], $0x2000, s19, s18, $0x38;
	[tilespmem:$0x10100] =	vst v63  }
0x1d: {  	p1 =	sge.u32 s31, s5  }
.Ltmp2:
0x1e: {  	_ = 	snop;
	(pc) =	sbr.rel @p1 .LBB1_7-.Ltmp2, $1  }
0x1f: {  	_ =	sdelay $0x3  }
0x20: {  	s15 =	simm.s32 $0x1;
	s17 =	sand.u32 $0x1, s12  }
0x21: {  	_ =	swait.ge [sflag:s4], $0x4000;
	s15 =	simm.s32 @!p0 $0x0;
	s17 =	smul.u32 $0x10200, s17  }
0x22: {  	p2 =	por $0x1, $0x1;
	[sflag:s4] =	ssyncset.done $0x0;
	s16 =	smul.u32 $0x10200, s15  }
0x23: {  	s18 =	sshll.u32 s15, $0x10;
	[sflag:s4] =	ssyncadd.s32 $0xFFFFC000;
	s30 =	sshrl.u32 s17, $0x2  }
0x24: {  	s31 =	sshrl.u32 s18, $0x2;
	s18 =	simm.s32 $0x0;
	s16 =	sshrl.u32 s16, $0x2  }
0x25: {  	s15 =	sor.u32 $0x8000, s30;
	s17 =	sadd.s32 $0x20, s31;
	s16 =	sor.u32 $0x8000, s16  }
.LBB1_3:
0x26: {  	s19 =	sshll.u32 s18, $0xD  }
0x27: {  	s19 =	sand.u32 $0x3FFFE000, s19  }
0x28: {  	s21 =	sadd.s32 s19, s17  }
0x29: {  	s31 =	smul.u32 $0x8100, s18;
	v3 =	vld [tilespmem:s21+$0x10]  }
0x2a: {  	v1 =	vld [tilespmem:s21+$0xFFFFFFF0]  }
0x2b: {  	s18 =	sshra.s32 s31, $0x2;
	v0 =	vld [tilespmem:s21+$0x0]  }
0x2c: {  	s18 =	sadd.s32 s18, s16;
	v2 =	vld [tilespmem:s21+$0xFFFFFFE0]  }
0x2d: {  	s19 =	sadd.s32 $0x0, s18  }
0x2e: {  	p1 =	por p2, p2;
	s20 =	simm.s32 $0x4;
	s21 =	sadd.s32 $0x40, s21;
	[tilespmem:s19+$0x1830 ss:$0x81] =	vst.msk $0xffff, v3  }
.LBB1_4:
0x2f: {  	v3 =	vld [tilespmem:s21+$0x10];
	p2 =	sne.s32 s20, $0x1FC;
	[tilespmem:s19+$0x810 ss:$0x81] =	vst.msk $0xffff, v1;
	s22 =	smov.u32 s20;
	s20 =	sadd.s32 $0x4, s20  }
.Ltmp3:
0x30: {  	v1 =	vld [tilespmem:s21+$0xFFFFFFF0];
	[tilespmem:s19+$0x1020 ss:$0x81] =	vst.msk $0xffff, v0;
	(pc) =	sbr.rel @p2 .LBB1_4-.Ltmp3, $4  }
0x31: {  	v0 =	vld [tilespmem:s21+$0x0];
	[tilespmem:s19+$0x0 ss:$0x81] =	vst.msk $0xffff, v2  }
0x32: {  	s19 =	sshra.s32 s22, $0x2;
	v2 =	vld [tilespmem:s21+$0xFFFFFFE0]  }
0x33: {  	s19 =	sadd.s32 s19, s18  }
0x34: {  	s21 =	sadd.s32 $0x40, s21;
	[tilespmem:s19+$0x1830 ss:$0x81] =	vst.msk $0xffff, v3  }
.Ltmp4:
0x35: {  	(pc) =	sbr.rel @p1 .LBB1_3-.Ltmp4, $4  }
0x36: {  	_ = 	snop  }
0x37: {  	[tilespmem:s19+$0x810 ss:$0x81] =	vst.msk $0xffff, v1  }
0x38: {  	[tilespmem:s19+$0x1020 ss:$0x81] =	vst.msk $0xffff, v0  }
0x39: {  	s18 =	simm.s32 $0x1;
	p2 =	por $0x0, $0x0;
	[tilespmem:s19+$0x0 ss:$0x81] =	vst.msk $0xffff, v2  }
.Ltmp5:
0x3a: {  	(pc) =	sbr.rel .LBB1_7-.Ltmp5, $4  }
0x3b: {  	s14 =	sshll.u32 s14, $0xF  }
0x3c: {  	s14 =	sadd.s32 s3, s14  }
0x3d: {  	s13 =	sadd.s32 s13, s14  }
0x3e: {  	[hbm4b:s13+s9] =	stream.strided.scatter [tilespmem:s15], [sflag:$0x2], $0x4000, s10, s9, $0x20;
	[tilespmem:$0x10100] =	vst v63  }
.LBB1_8:
0x3f: {  	_ =	sfence.sel $0x180000  }
0x40: {  	s2 =	simm.s32 $0x1;
	[bflag:$0x0] =	sbarrier.arrive $0xFFFF  }
0x41: {  	s31 =	simm.s32 $0x2;
	[sflag:s2] =	ssyncpa.u1 $0x1  }
0x42: {  	[sflag:s31] =	ssyncpa.u1 $0x1  }
0x43: {  	p0 =	sne.s32 s0, $0x0;
	_ =	strace $0x9000004A  }
0x44: {  	s0 =	sadd.s32 @!p0 $0x100000, s1;
	[bflag:$0x2] =	sbarrier.arrive $0xFFFF  }
0x45: {  	[sflag:s0] =	ssyncadd.tile.s32 @!p0 $0x1;
	_ =	shalt  }
.Lfunc_end1:
_tile_overlayer_lowered:
.L_overlay_start_2:
0x46: {  	(tag) =	ssettag $0x2  }
0x47: {  	s0 =	rddreg [dreg:$0x0];
	s2 =	stileid.u32  }
0x48: {  	s1 =	rddreg [dreg:$0x1];
	p0 =	sne.s32 s2, $0x0  }
0x49: {  	s3 =	rddreg [dreg:$0x2];
	[bflag:$0x3] =	sbarrier.arrive $0xFFFF;
	s2 =	simm.s32 @!p0 $0x1C01  }
0x4a: {  	[timem:s3], [sflag:s2] =	dma.local @!p0 [hbm:s0], s1  }
0x4b: {  	s0 =	simm.s32 @!p0 $0x1  }
0x4c: {  	_ =	swait.ge @!p0 [sflag:s0], s1  }
0x4d: {  	s1 =	ssub.s32 @!p0 $0x0, s1;
	[sflag:s0] =	ssyncset.done @!p0 $0x0  }
0x4e: {  	[sflag:s0] =	ssyncadd.s32 @!p0 s1  }
0x4f: {  	[bflag:$0x3] =	sbarrier.arrive $0xFFFF  }
0x50: {  	_ =	shalt  }

</sc_bundles>
